<compile_context>
chip_gen: v7x
topology: tpu7x:2x2x1
jax: 0.10.2.dev20260603
libtpu: 0.0.44.dev20260713+nightly
codegen_flags: <defaults>
</compile_context>

<pallas_src>
import dataclasses
import functools

import jax
import jax.numpy as jnp
from jax import lax
from jax.experimental import pallas as pl
from jax.experimental.pallas import tpu as pltpu
from jax.experimental.pallas import tpu_sc as plsc

N, T, C, L = 16, 12, 16, 1024
D_CATE, N_CATE = 16, 3
N_FLAG, D_FLAG = 4, 4
N_TFLAG, D_TFLAG = 9, 4
C_OUT = C + N_CATE * D_CATE + N_FLAG * D_FLAG + N_TFLAG * D_TFLAG + 6
C_SC = N_CATE * D_CATE
C_SF = N_FLAG * D_FLAG
C_TF = N_TFLAG * D_TFLAG

NC, NS = 2, 16
NW = NC * NS
TASKS = (C_SC * 2) // NW
NHALF = N // 2


def _sc_gather(wt, sct):
    V = wt.shape[2]
    mesh = plsc.VectorSubcoreMesh(core_axis_name="c", subcore_axis_name="s")
    cp = pltpu.CompilerParams()
    if "needs_layout_passes" in pltpu.CompilerParams.__dataclass_fields__:
        cp = dataclasses.replace(cp, needs_layout_passes=False)

    @functools.partial(
        pl.kernel,
        out_type=jax.ShapeDtypeStruct((C_SC, N, L), jnp.float32),
        mesh=mesh,
        compiler_params=cp,
        scratch_types=[
            pltpu.VMEM((V,), jnp.float32),
            pltpu.VMEM((N, L), jnp.int32),
            pltpu.VMEM((NHALF, L), jnp.float32),
            pltpu.SemaphoreType.DMA,
            pltpu.SemaphoreType.DMA,
            pltpu.SemaphoreType.DMA,
        ],
    )
    def k(wt_hbm, idx_hbm, out_hbm, row_v, idx_v, out_v, rsem, isem, osem):
        wid = lax.axis_index("s") * NC + lax.axis_index("c")
        h0 = wid * TASKS
        ti0 = (h0 // 2) // D_CATE
        td0 = (h0 // 2) % D_CATE
        rcp = pltpu.async_copy(wt_hbm.at[ti0, td0], row_v, rsem)
        pltpu.async_copy(idx_hbm.at[ti0], idx_v, isem).wait()
        rcp.wait()
        ocp = None
        for kk in range(TASKS):
            h = h0 + kk
            pair = h // 2
            ti = pair // D_CATE
            td = pair % D_CATE
            nh = (h % 2) * NHALF
            if kk > 0:
                @pl.when(pair != (h - 1) // 2)
                def _():
                    pltpu.sync_copy(wt_hbm.at[ti, td], row_v)

                @pl.when(ti != ((h - 1) // 2) // D_CATE)
                def _():
                    pltpu.sync_copy(idx_hbm.at[ti], idx_v)
                ocp.wait()

            @pl.loop(0, NHALF)
            def _(nn):
                @pl.loop(0, L // 16)
                def _(g):
                    sl = pl.ds(g * 16, 16)
                    out_v[nn, sl] = plsc.load_gather(
                        row_v, [idx_v[nh + nn, sl]])

            ocp = pltpu.async_copy(out_v, out_hbm.at[pair, pl.ds(nh, NHALF)],
                                   osem)
        ocp.wait()

    return k(wt, sct)


def _tc_assemble(input_tensor, sc_rows, flag_t, tflag_t, temp_t, wd, w0, wtd, tw0):
    def body(inp, rows, flag, tflag, temp, wdr, w0r, wtdr, tw0r, out):
        xt = jnp.transpose(inp[:, 0], (1, 0, 2))
        fl = flag[...].astype(jnp.float32)
        tf = tflag[0].astype(jnp.float32)
        sf = [w0r[c] + wdr[c] * fl[c // D_FLAG] for c in range(C_SF)]
        stf = [tw0r[c] + wtdr[c] * tf[c // D_TFLAG] for c in range(C_TF)]
        out[0] = jnp.concatenate(
            [xt, rows[...], jnp.stack(sf), jnp.stack(stf), temp[0]],
            axis=0)

    smem = functools.partial(pl.BlockSpec, memory_space=pltpu.SMEM)
    return pl.pallas_call(
        body,
        grid=(T,),
        in_specs=[
            pl.BlockSpec((N, 1, C, L), lambda t: (0, t, 0, 0)),
            pl.BlockSpec((C_SC, N, L), lambda t: (0, 0, 0)),
            pl.BlockSpec((N_FLAG, N, L), lambda t: (0, 0, 0)),
            pl.BlockSpec((1, N_TFLAG, N, L), lambda t: (t, 0, 0, 0)),
            pl.BlockSpec((1, 6, N, L), lambda t: (t, 0, 0, 0)),
            smem((C_SF,), lambda t: (0,)),
            smem((C_SF,), lambda t: (0,)),
            smem((C_TF,), lambda t: (0,)),
            smem((C_TF,), lambda t: (0,)),
        ],
        out_specs=pl.BlockSpec((1, C_OUT, N, L), lambda t: (t, 0, 0, 0)),
        out_shape=jax.ShapeDtypeStruct((T, C_OUT, N, L), jnp.float32),
    )(input_tensor, sc_rows, flag_t, tflag_t, temp_t, wd, w0, wtd, tw0)


def kernel(input_tensor, spa_cate, spa_flag, spa_temp_flag, spa_temp,
           W_cate, W_flag, W_tflag):
    wt = jnp.transpose(W_cate, (0, 2, 1))
    sct = jnp.transpose(spa_cate.astype(jnp.int32), (1, 0, 2))
    sc_rows = _sc_gather(wt, sct)

    flag_t = jnp.transpose(spa_flag.astype(jnp.int32), (1, 0, 2))
    tflag_t = jnp.transpose(spa_temp_flag.astype(jnp.int32), (1, 2, 0, 3))
    temp_t = jnp.transpose(spa_temp, (1, 2, 0, 3))

    wd = (W_flag[:, 1, :] - W_flag[:, 0, :]).reshape(C_SF)
    w0 = W_flag[:, 0, :].reshape(C_SF)
    wtd = (W_tflag[:, 1, :] - W_tflag[:, 0, :]).reshape(C_TF)
    tw0 = W_tflag[:, 0, :].reshape(C_TF)

    res = _tc_assemble(input_tensor, sc_rows, flag_t, tflag_t, temp_t,
                       wd, w0, wtd, tw0)
    return jnp.transpose(res, (2, 0, 1, 3))

# --- scband reference (transcript-rebuilt; emitter-appended) ---
"""Pipeline reference for scband-embedding-exogenous-79216376807674 (READ-ONLY COPY).

The authoritative reference and input builder live on the scoring server;
editing this copy changes nothing except your own understanding.
"""

import jax, jax.numpy as jnp
import numpy as np

N, T, C, L = 16, 12, 16, 1024
V, D_CATE = 100000, 16
N_CATE, N_FLAG, N_TFLAG = 3, 4, 9
D_FLAG, D_TFLAG = 4, 4


def setup_inputs(seed: int = 0) -> dict:
    key = jax.random.key(seed)
    ks = jax.random.split(key, 8)
    return {
        "input_tensor": jax.random.normal(ks[0], (N, T, C, L), dtype=jnp.float32),
        "spa_cate": jax.random.randint(ks[1], (N, N_CATE, L), 0, V, dtype=jnp.int64),
        "spa_flag": jax.random.randint(ks[2], (N, N_FLAG, L), 0, 2, dtype=jnp.int64),
        "spa_temp_flag": jax.random.randint(ks[3], (N, T, N_TFLAG, L), 0, 2, dtype=jnp.int64),
        "spa_temp": jax.random.normal(ks[4], (N, T, 6, L), dtype=jnp.float32),
        "W_cate": jax.random.normal(ks[5], (N_CATE, V, D_CATE), dtype=jnp.float32),
        "W_flag": jax.random.normal(ks[6], (N_FLAG, 2, D_FLAG), dtype=jnp.float32),
        "W_tflag": jax.random.normal(ks[7], (N_TFLAG, 2, D_TFLAG), dtype=jnp.float32),
    }


def reference(input_tensor, spa_cate, spa_flag, spa_temp_flag, spa_temp, W_cate, W_flag, W_tflag):
    n, t, c, l = input_tensor.shape
    # spa_cate embeddings: [N, L, n_cate*D_CATE] -> [N, 1, EC, L] broadcast over time
    sc = jnp.concatenate([jnp.take(W_cate[i], spa_cate[:, i, :], axis=0) for i in range(W_cate.shape[0])], axis=-1)
    sc = jnp.transpose(sc, (0, 2, 1))[:, None, :, :]
    sc = jnp.broadcast_to(sc, (n, t, sc.shape[2], l))
    x = jnp.concatenate([input_tensor, sc], axis=2)
    # spa_flag embeddings
    sf = jnp.concatenate([jnp.take(W_flag[i], spa_flag[:, i, :], axis=0) for i in range(W_flag.shape[0])], axis=-1)
    sf = jnp.transpose(sf, (0, 2, 1))[:, None, :, :]
    sf = jnp.broadcast_to(sf, (n, t, sf.shape[2], l))
    x = jnp.concatenate([x, sf], axis=2)
    # spa_temp_flag embeddings: [N, T, L, n_tflag*D_TFLAG] -> [N, T, EC, L]
    stf = jnp.concatenate([jnp.take(W_tflag[i], spa_temp_flag[:, :, i, :], axis=0) for i in range(W_tflag.shape[0])], axis=-1)
    stf = jnp.transpose(stf, (0, 1, 3, 2))
    x = jnp.concatenate([x, stf], axis=2)
    # raw spa_temp features
    x = jnp.concatenate([x, spa_temp], axis=2)
    return x

if __name__ == "__main__":
    import jax
    _d = setup_inputs()
    print(jax.jit(kernel)(*tuple(_d.values())))

</pallas_src>

<mosaic_0001>
#map = affine_map<(d0, d1) -> (0, 0, 0)>
module attributes {stable_mosaic.version = 14 : i64} {
  func.func @k(%arg0: i32, %arg1: i32, %arg2: memref<3x16x100000xf32, #tpu.memory_space<hbm>>, %arg3: memref<3x16x1024xi32, #tpu.memory_space<hbm>>, %arg4: memref<48x16x1024xf32, #tpu.memory_space<hbm>>, %arg5: memref<100000xf32, #tpu.memory_space<vmem>>, %arg6: memref<16x1024xi32, #tpu.memory_space<vmem>>, %arg7: memref<8x1024xf32, #tpu.memory_space<vmem>>, %arg8: memref<!tpu.dma_semaphore, #tpu.memory_space<semaphore_mem>>, %arg9: memref<!tpu.dma_semaphore, #tpu.memory_space<semaphore_mem>>, %arg10: memref<!tpu.dma_semaphore, #tpu.memory_space<semaphore_mem>>) attributes {dimension_semantics = [#tpu.dimension_semantics<core_parallel>, #tpu.dimension_semantics<subcore_parallel>], iteration_bounds = array<i64: 2, 16>, scalar_prefetch = 0 : i64, scratch_operands = 6 : i64, tpu.core_type = #tpu.core_type<sc_vector_subcore>, window_params = [{transform_indices = #map}, {transform_indices = #map}, {transform_indices = #map}]} {
    %mul3A = arith.constant 2 : i32
    %mul3A_0 = arith.muli %arg1, %mul3A : i32
    %add3A = arith.addi %mul3A_0, %arg0 : i32
    %mul3A_1 = arith.constant 3 : i32
    %mul3A_2 = arith.muli %add3A, %mul3A_1 : i32
    %jit3A = arith.constant 2 : i32
    %div3A = arith.divsi %mul3A_2, %jit3A : i32
    %sign3A = arith.constant 0 : i32
    %sign3A_3 = arith.cmpi sgt, %mul3A_2, %sign3A : i32
    %sign3A_4 = arith.extui %sign3A_3 : i1 to i32
    %sign3A_5 = arith.constant 0 : i32
    %sign3A_6 = arith.cmpi slt, %mul3A_2, %sign3A_5 : i32
    %sign3A_7 = arith.extui %sign3A_6 : i1 to i32
    %sign3A_8 = arith.subi %sign3A_4, %sign3A_7 : i32
    %sign3A_9 = arith.constant 0 : i32
    %sign3A_10 = arith.cmpi sgt, %jit3A, %sign3A_9 : i32
    %sign3A_11 = arith.extui %sign3A_10 : i1 to i32
    %sign3A_12 = arith.constant 0 : i32
    %sign3A_13 = arith.cmpi slt, %jit3A, %sign3A_12 : i32
    %sign3A_14 = arith.extui %sign3A_13 : i1 to i32
    %sign3A_15 = arith.subi %sign3A_11, %sign3A_14 : i32
    %ne3A = arith.cmpi ne, %sign3A_8, %sign3A_15 : i32
    %rem3A = arith.remsi %mul3A_2, %jit3A : i32
    %ne3A_16 = arith.constant 0 : i32
    %ne3A_17 = arith.cmpi ne, %rem3A, %ne3A_16 : i32
    %and3A = arith.andi %ne3A, %ne3A_17 : i1
    %sub3A = arith.constant 1 : i32
    %sub3A_18 = arith.subi %div3A, %sub3A : i32
    %select_n3A = arith.select %and3A, %sub3A_18, %div3A : i32
    %jit3A_19 = arith.constant 16 : i32
    %div3A_20 = arith.divsi %select_n3A, %jit3A_19 : i32
    %sign3A_21 = arith.constant 0 : i32
    %sign3A_22 = arith.cmpi sgt, %select_n3A, %sign3A_21 : i32
    %sign3A_23 = arith.extui %sign3A_22 : i1 to i32
    %sign3A_24 = arith.constant 0 : i32
    %sign3A_25 = arith.cmpi slt, %select_n3A, %sign3A_24 : i32
    %sign3A_26 = arith.extui %sign3A_25 : i1 to i32
    %sign3A_27 = arith.subi %sign3A_23, %sign3A_26 : i32
    %sign3A_28 = arith.constant 0 : i32
    %sign3A_29 = arith.cmpi sgt, %jit3A_19, %sign3A_28 : i32
    %sign3A_30 = arith.extui %sign3A_29 : i1 to i32
    %sign3A_31 = arith.constant 0 : i32
    %sign3A_32 = arith.cmpi slt, %jit3A_19, %sign3A_31 : i32
    %sign3A_33 = arith.extui %sign3A_32 : i1 to i32
    %sign3A_34 = arith.subi %sign3A_30, %sign3A_33 : i32
    %ne3A_35 = arith.cmpi ne, %sign3A_27, %sign3A_34 : i32
    %rem3A_36 = arith.remsi %select_n3A, %jit3A_19 : i32
    %ne3A_37 = arith.constant 0 : i32
    %ne3A_38 = arith.cmpi ne, %rem3A_36, %ne3A_37 : i32
    %and3A_39 = arith.andi %ne3A_35, %ne3A_38 : i1
    %sub3A_40 = arith.constant 1 : i32
    %sub3A_41 = arith.subi %div3A_20, %sub3A_40 : i32
    %select_n3A_42 = arith.select %and3A_39, %sub3A_41, %div3A_20 : i32
    %jit3A_43 = arith.constant 2 : i32
    %div3A_44 = arith.divsi %mul3A_2, %jit3A_43 : i32
    %sign3A_45 = arith.constant 0 : i32
    %sign3A_46 = arith.cmpi sgt, %mul3A_2, %sign3A_45 : i32
    %sign3A_47 = arith.extui %sign3A_46 : i1 to i32
    %sign3A_48 = arith.constant 0 : i32
    %sign3A_49 = arith.cmpi slt, %mul3A_2, %sign3A_48 : i32
    %sign3A_50 = arith.extui %sign3A_49 : i1 to i32
    %sign3A_51 = arith.subi %sign3A_47, %sign3A_50 : i32
    %sign3A_52 = arith.constant 0 : i32
    %sign3A_53 = arith.cmpi sgt, %jit3A_43, %sign3A_52 : i32
    %sign3A_54 = arith.extui %sign3A_53 : i1 to i32
    %sign3A_55 = arith.constant 0 : i32
    %sign3A_56 = arith.cmpi slt, %jit3A_43, %sign3A_55 : i32
    %sign3A_57 = arith.extui %sign3A_56 : i1 to i32
    %sign3A_58 = arith.subi %sign3A_54, %sign3A_57 : i32
    %ne3A_59 = arith.cmpi ne, %sign3A_51, %sign3A_58 : i32
    %rem3A_60 = arith.remsi %mul3A_2, %jit3A_43 : i32
    %ne3A_61 = arith.constant 0 : i32
    %ne3A_62 = arith.cmpi ne, %rem3A_60, %ne3A_61 : i32
    %and3A_63 = arith.andi %ne3A_59, %ne3A_62 : i1
    %sub3A_64 = arith.constant 1 : i32
    %sub3A_65 = arith.subi %div3A_44, %sub3A_64 : i32
    %select_n3A_66 = arith.select %and3A_63, %sub3A_65, %div3A_44 : i32
    %jit3A_67 = arith.constant 16 : i32
    %eq3A = arith.constant 0 : i32
    %eq3A_68 = arith.cmpi eq, %jit3A_67, %eq3A : i32
    %jit3A_69 = arith.constant 1 : i32
    %select_n3A_70 = arith.select %eq3A_68, %jit3A_69, %jit3A_67 : i32
    %rem3A_71 = arith.remsi %select_n3A_66, %select_n3A_70 : i32
    %ne3A_72 = arith.constant 0 : i32
    %ne3A_73 = arith.cmpi ne, %rem3A_71, %ne3A_72 : i32
    %lt3A = arith.constant 0 : i32
    %lt3A_74 = arith.cmpi slt, %rem3A_71, %lt3A : i32
    %lt3A_75 = arith.constant 0 : i32
    %lt3A_76 = arith.cmpi slt, %select_n3A_70, %lt3A_75 : i32
    %ne3A_77 = arith.xori %lt3A_74, %lt3A_76 : i1
    %and3A_78 = arith.andi %ne3A_77, %ne3A_73 : i1
    %add3A_79 = arith.addi %rem3A_71, %select_n3A_70 : i32
    %select_n3A_80 = arith.select %and3A_78, %add3A_79, %rem3A_71 : i32
    %dma_start3A = arith.constant 0 : i32
    %dma_start3A_81 = tpu.memref_slice %arg2[%select_n3A_42, %select_n3A_80, %dma_start3A] : memref<3x16x100000xf32, #tpu.memory_space<hbm>> -> memref<1x1x100000xf32, #tpu.memory_space<hbm>>
    %dma_start3A_82 = tpu.memref_squeeze %dma_start3A_81 : memref<1x1x100000xf32, #tpu.memory_space<hbm>> -> memref<100000xf32, #tpu.memory_space<hbm>>
    %dma_start3A_83 = arith.constant 0 : i32
    %dma_start3A_84 = tpu.memref_slice %arg2[%select_n3A_42, %select_n3A_80, %dma_start3A_83] : memref<3x16x100000xf32, #tpu.memory_space<hbm>> -> memref<1x1x100000xf32, #tpu.memory_space<hbm>>
    %dma_start3A_85 = tpu.memref_squeeze %dma_start3A_84 : memref<1x1x100000xf32, #tpu.memory_space<hbm>> -> memref<100000xf32, #tpu.memory_space<hbm>>
    tpu.enqueue_dma source(%dma_start3A_85 : memref<100000xf32, #tpu.memory_space<hbm>>) target(%arg5 : memref<100000xf32, #tpu.memory_space<vmem>>) target_semaphore(%arg8 : memref<!tpu.dma_semaphore, #tpu.memory_space<semaphore_mem>>)
    %dma_start3A_86 = arith.constant 0 : i32
    %dma_start3A_87 = arith.constant 0 : i32
    %dma_start3A_88 = tpu.memref_slice %arg3[%select_n3A_42, %dma_start3A_86, %dma_start3A_87] : memref<3x16x1024xi32, #tpu.memory_space<hbm>> -> memref<1x16x1024xi32, #tpu.memory_space<hbm>>
    %dma_start3A_89 = tpu.memref_squeeze %dma_start3A_88 : memref<1x16x1024xi32, #tpu.memory_space<hbm>> -> memref<16x1024xi32, #tpu.memory_space<hbm>>
    %dma_start3A_90 = arith.constant 0 : i32
    %dma_start3A_91 = arith.constant 0 : i32
    %dma_start3A_92 = tpu.memref_slice %arg3[%select_n3A_42, %dma_start3A_90, %dma_start3A_91] : memref<3x16x1024xi32, #tpu.memory_space<hbm>> -> memref<1x16x1024xi32, #tpu.memory_space<hbm>>
    %dma_start3A_93 = tpu.memref_squeeze %dma_start3A_92 : memref<1x16x1024xi32, #tpu.memory_space<hbm>> -> memref<16x1024xi32, #tpu.memory_space<hbm>>
    tpu.enqueue_dma source(%dma_start3A_93 : memref<16x1024xi32, #tpu.memory_space<hbm>>) target(%arg6 : memref<16x1024xi32, #tpu.memory_space<vmem>>) target_semaphore(%arg9 : memref<!tpu.dma_semaphore, #tpu.memory_space<semaphore_mem>>)
    %dma_wait3A = arith.constant 0 : i32
    %dma_wait3A_94 = arith.constant 0 : i32
    %dma_wait3A_95 = tpu.memref_slice %arg3[%select_n3A_42, %dma_wait3A, %dma_wait3A_94] : memref<3x16x1024xi32, #tpu.memory_space<hbm>> -> memref<1x16x1024xi32, #tpu.memory_space<hbm>>
    %dma_wait3A_96 = tpu.memref_squeeze %dma_wait3A_95 : memref<1x16x1024xi32, #tpu.memory_space<hbm>> -> memref<16x1024xi32, #tpu.memory_space<hbm>>
    %dma_wait3A_97 = arith.constant 0 : i32
    %dma_wait3A_98 = arith.constant 0 : i32
    %dma_wait3A_99 = tpu.memref_slice %arg3[%select_n3A_42, %dma_wait3A_97, %dma_wait3A_98] : memref<3x16x1024xi32, #tpu.memory_space<hbm>> -> memref<1x16x1024xi32, #tpu.memory_space<hbm>>
    %dma_wait3A_100 = tpu.memref_squeeze %dma_wait3A_99 : memref<1x16x1024xi32, #tpu.memory_space<hbm>> -> memref<16x1024xi32, #tpu.memory_space<hbm>>
    tpu.wait_dma2 semaphore(%arg9 : memref<!tpu.dma_semaphore, #tpu.memory_space<semaphore_mem>>) src(%dma_wait3A_100 : memref<16x1024xi32, #tpu.memory_space<hbm>>) dst(%arg6 : memref<16x1024xi32, #tpu.memory_space<vmem>>)
    %dma_wait3A_101 = arith.constant 0 : i32
    %dma_wait3A_102 = tpu.memref_slice %arg2[%select_n3A_42, %select_n3A_80, %dma_wait3A_101] : memref<3x16x100000xf32, #tpu.memory_space<hbm>> -> memref<1x1x100000xf32, #tpu.memory_space<hbm>>
    %dma_wait3A_103 = tpu.memref_squeeze %dma_wait3A_102 : memref<1x1x100000xf32, #tpu.memory_space<hbm>> -> memref<100000xf32, #tpu.memory_space<hbm>>
    %dma_wait3A_104 = arith.constant 0 : i32
    %dma_wait3A_105 = tpu.memref_slice %arg2[%select_n3A_42, %select_n3A_80, %dma_wait3A_104] : memref<3x16x100000xf32, #tpu.memory_space<hbm>> -> memref<1x1x100000xf32, #tpu.memory_space<hbm>>
    %dma_wait3A_106 = tpu.memref_squeeze %dma_wait3A_105 : memref<1x1x100000xf32, #tpu.memory_space<hbm>> -> memref<100000xf32, #tpu.memory_space<hbm>>
    tpu.wait_dma2 semaphore(%arg8 : memref<!tpu.dma_semaphore, #tpu.memory_space<semaphore_mem>>) src(%dma_wait3A_106 : memref<100000xf32, #tpu.memory_space<hbm>>) dst(%arg5 : memref<100000xf32, #tpu.memory_space<vmem>>)
    %add3A_107 = arith.constant 0 : i32
    %add3A_108 = arith.addi %mul3A_2, %add3A_107 : i32
    %jit3A_109 = arith.constant 2 : i32
    %div3A_110 = arith.divsi %add3A_108, %jit3A_109 : i32
    %sign3A_111 = arith.constant 0 : i32
    %sign3A_112 = arith.cmpi sgt, %add3A_108, %sign3A_111 : i32
    %sign3A_113 = arith.extui %sign3A_112 : i1 to i32
    %sign3A_114 = arith.constant 0 : i32
    %sign3A_115 = arith.cmpi slt, %add3A_108, %sign3A_114 : i32
    %sign3A_116 = arith.extui %sign3A_115 : i1 to i32
    %sign3A_117 = arith.subi %sign3A_113, %sign3A_116 : i32
    %sign3A_118 = arith.constant 0 : i32
    %sign3A_119 = arith.cmpi sgt, %jit3A_109, %sign3A_118 : i32
    %sign3A_120 = arith.extui %sign3A_119 : i1 to i32
    %sign3A_121 = arith.constant 0 : i32
    %sign3A_122 = arith.cmpi slt, %jit3A_109, %sign3A_121 : i32
    %sign3A_123 = arith.extui %sign3A_122 : i1 to i32
    %sign3A_124 = arith.subi %sign3A_120, %sign3A_123 : i32
    %ne3A_125 = arith.cmpi ne, %sign3A_117, %sign3A_124 : i32
    %rem3A_126 = arith.remsi %add3A_108, %jit3A_109 : i32
    %ne3A_127 = arith.constant 0 : i32
    %ne3A_128 = arith.cmpi ne, %rem3A_126, %ne3A_127 : i32
    %and3A_129 = arith.andi %ne3A_125, %ne3A_128 : i1
    %sub3A_130 = arith.constant 1 : i32
    %sub3A_131 = arith.subi %div3A_110, %sub3A_130 : i32
    %select_n3A_132 = arith.select %and3A_129, %sub3A_131, %div3A_110 : i32
    %jit3A_133 = arith.constant 16 : i32
    %div3A_134 = arith.divsi %select_n3A_132, %jit3A_133 : i32
    %sign3A_135 = arith.constant 0 : i32
    %sign3A_136 = arith.cmpi sgt, %select_n3A_132, %sign3A_135 : i32
    %sign3A_137 = arith.extui %sign3A_136 : i1 to i32
    %sign3A_138 = arith.constant 0 : i32
    %sign3A_139 = arith.cmpi slt, %select_n3A_132, %sign3A_138 : i32
    %sign3A_140 = arith.extui %sign3A_139 : i1 to i32
    %sign3A_141 = arith.subi %sign3A_137, %sign3A_140 : i32
    %sign3A_142 = arith.constant 0 : i32
    %sign3A_143 = arith.cmpi sgt, %jit3A_133, %sign3A_142 : i32
    %sign3A_144 = arith.extui %sign3A_143 : i1 to i32
    %sign3A_145 = arith.constant 0 : i32
    %sign3A_146 = arith.cmpi slt, %jit3A_133, %sign3A_145 : i32
    %sign3A_147 = arith.extui %sign3A_146 : i1 to i32
    %sign3A_148 = arith.subi %sign3A_144, %sign3A_147 : i32
    %ne3A_149 = arith.cmpi ne, %sign3A_141, %sign3A_148 : i32
    %rem3A_150 = arith.remsi %select_n3A_132, %jit3A_133 : i32
    %ne3A_151 = arith.constant 0 : i32
    %ne3A_152 = arith.cmpi ne, %rem3A_150, %ne3A_151 : i32
    %and3A_153 = arith.andi %ne3A_149, %ne3A_152 : i1
    %sub3A_154 = arith.constant 1 : i32
    %sub3A_155 = arith.subi %div3A_134, %sub3A_154 : i32
    %select_n3A_156 = arith.select %and3A_153, %sub3A_155, %div3A_134 : i32
    %jit3A_157 = arith.constant 16 : i32
    %eq3A_158 = arith.constant 0 : i32
    %eq3A_159 = arith.cmpi eq, %jit3A_157, %eq3A_158 : i32
    %jit3A_160 = arith.constant 1 : i32
    %select_n3A_161 = arith.select %eq3A_159, %jit3A_160, %jit3A_157 : i32
    %rem3A_162 = arith.remsi %select_n3A_132, %select_n3A_161 : i32
    %ne3A_163 = arith.constant 0 : i32
    %ne3A_164 = arith.cmpi ne, %rem3A_162, %ne3A_163 : i32
    %lt3A_165 = arith.constant 0 : i32
    %lt3A_166 = arith.cmpi slt, %rem3A_162, %lt3A_165 : i32
    %lt3A_167 = arith.constant 0 : i32
    %lt3A_168 = arith.cmpi slt, %select_n3A_161, %lt3A_167 : i32
    %ne3A_169 = arith.xori %lt3A_166, %lt3A_168 : i1
    %and3A_170 = arith.andi %ne3A_169, %ne3A_164 : i1
    %add3A_171 = arith.addi %rem3A_162, %select_n3A_161 : i32
    %select_n3A_172 = arith.select %and3A_170, %add3A_171, %rem3A_162 : i32
    %jit3A_173 = arith.constant 2 : i32
    %eq3A_174 = arith.constant 0 : i32
    %eq3A_175 = arith.cmpi eq, %jit3A_173, %eq3A_174 : i32
    %jit3A_176 = arith.constant 1 : i32
    %select_n3A_177 = arith.select %eq3A_175, %jit3A_176, %jit3A_173 : i32
    %rem3A_178 = arith.remsi %add3A_108, %select_n3A_177 : i32
    %ne3A_179 = arith.constant 0 : i32
    %ne3A_180 = arith.cmpi ne, %rem3A_178, %ne3A_179 : i32
    %lt3A_181 = arith.constant 0 : i32
    %lt3A_182 = arith.cmpi slt, %rem3A_178, %lt3A_181 : i32
    %lt3A_183 = arith.constant 0 : i32
    %lt3A_184 = arith.cmpi slt, %select_n3A_177, %lt3A_183 : i32
    %ne3A_185 = arith.xori %lt3A_182, %lt3A_184 : i1
    %and3A_186 = arith.andi %ne3A_185, %ne3A_180 : i1
    %add3A_187 = arith.addi %rem3A_178, %select_n3A_177 : i32
    %select_n3A_188 = arith.select %and3A_186, %add3A_187, %rem3A_178 : i32
    %mul3A_189 = arith.constant 8 : i32
    %mul3A_190 = arith.muli %select_n3A_188, %mul3A_189 : i32
    %scan3A = arith.constant 0 : i32
    %scan3A_191 = arith.constant 8 : i32
    %scan3A_192 = arith.addi %scan3A, %scan3A_191 : i32
    %scan3A_193 = arith.constant 1 : i32
    scf.for %scan3A_575 = %scan3A to %scan3A_192 step %scan3A_193  : i32 {
      %mul3A_576 = arith.constant 1 : i32
      %mul3A_577 = arith.muli %scan3A_575, %mul3A_576 : i32
      %add3A_578 = arith.constant 0 : i32
      %add3A_579 = arith.addi %add3A_578, %mul3A_577 : i32
      %scan3A_580 = arith.constant 0 : i32
      %scan3A_581 = arith.constant 64 : i32
      %scan3A_582 = arith.addi %scan3A_580, %scan3A_581 : i32
      %scan3A_583 = arith.constant 1 : i32
      scf.for %scan3A_585 = %scan3A_580 to %scan3A_582 step %scan3A_583  : i32 {
        %mul3A_586 = arith.constant 1 : i32
        %mul3A_587 = arith.muli %scan3A_585, %mul3A_586 : i32
        %add3A_588 = arith.constant 0 : i32
        %add3A_589 = arith.addi %add3A_588, %mul3A_587 : i32
        %mul3A_590 = arith.constant 16 : i32
        %mul3A_591 = arith.muli %add3A_589, %mul3A_590 : i32
        %add3A_592 = arith.addi %mul3A_190, %add3A_579 : i32
        %get3A = arith.index_cast %add3A_592 : i32 to index
        %get3A_593 = arith.index_cast %mul3A_591 : i32 to index
        %get3A_594 = tpu.vector_load %arg6[%get3A, %get3A_593] {strides = array<i32>} : memref<16x1024xi32, #tpu.memory_space<vmem>>, vector<16xi32>,
        %gather3A = tpu.vector_load_idx %arg5[%get3A_594] : memref<100000xf32, #tpu.memory_space<vmem>>[vector<16xi32>], vector<16xf32>,
        %swap3A = arith.index_cast %add3A_579 : i32 to index
        %swap3A_595 = arith.index_cast %mul3A_591 : i32 to index
        %swap3A_596 = tpu.vector_load %arg7[%swap3A, %swap3A_595] {strides = array<i32>} : memref<8x1024xf32, #tpu.memory_space<vmem>>, vector<16xf32>,
        tpu.vector_store %arg7[%swap3A, %swap3A_595], %gather3A {strides = array<i32>} : memref<8x1024xf32, #tpu.memory_space<vmem>>, vector<16xf32>,
      }
      %scan3A_584 = arith.constant 64 : i32
    }
    %scan3A_194 = arith.constant 8 : i32
    %dma_start3A_195 = arith.constant 0 : i32
    %dma_start3A_196 = tpu.memref_slice %arg4[%select_n3A_132, %mul3A_190, %dma_start3A_195] : memref<48x16x1024xf32, #tpu.memory_space<hbm>> -> memref<1x8x1024xf32, #tpu.memory_space<hbm>>
    %dma_start3A_197 = tpu.memref_squeeze %dma_start3A_196 : memref<1x8x1024xf32, #tpu.memory_space<hbm>> -> memref<8x1024xf32, #tpu.memory_space<hbm>>
    %dma_start3A_198 = arith.constant 0 : i32
    %dma_start3A_199 = tpu.memref_slice %arg4[%select_n3A_132, %mul3A_190, %dma_start3A_198] : memref<48x16x1024xf32, #tpu.memory_space<hbm>> -> memref<1x8x1024xf32, #tpu.memory_space<hbm>>
    %dma_start3A_200 = tpu.memref_squeeze %dma_start3A_199 : memref<1x8x1024xf32, #tpu.memory_space<hbm>> -> memref<8x1024xf32, #tpu.memory_space<hbm>>
    tpu.enqueue_dma source(%arg7 : memref<8x1024xf32, #tpu.memory_space<vmem>>) target(%dma_start3A_200 : memref<8x1024xf32, #tpu.memory_space<hbm>>) target_semaphore(%arg10 : memref<!tpu.dma_semaphore, #tpu.memory_space<semaphore_mem>>)
    %add3A_201 = arith.constant 1 : i32
    %add3A_202 = arith.addi %mul3A_2, %add3A_201 : i32
    %jit3A_203 = arith.constant 2 : i32
    %div3A_204 = arith.divsi %add3A_202, %jit3A_203 : i32
    %sign3A_205 = arith.constant 0 : i32
    %sign3A_206 = arith.cmpi sgt, %add3A_202, %sign3A_205 : i32
    %sign3A_207 = arith.extui %sign3A_206 : i1 to i32
    %sign3A_208 = arith.constant 0 : i32
    %sign3A_209 = arith.cmpi slt, %add3A_202, %sign3A_208 : i32
    %sign3A_210 = arith.extui %sign3A_209 : i1 to i32
    %sign3A_211 = arith.subi %sign3A_207, %sign3A_210 : i32
    %sign3A_212 = arith.constant 0 : i32
    %sign3A_213 = arith.cmpi sgt, %jit3A_203, %sign3A_212 : i32
    %sign3A_214 = arith.extui %sign3A_213 : i1 to i32
    %sign3A_215 = arith.constant 0 : i32
    %sign3A_216 = arith.cmpi slt, %jit3A_203, %sign3A_215 : i32
    %sign3A_217 = arith.extui %sign3A_216 : i1 to i32
    %sign3A_218 = arith.subi %sign3A_214, %sign3A_217 : i32
    %ne3A_219 = arith.cmpi ne, %sign3A_211, %sign3A_218 : i32
    %rem3A_220 = arith.remsi %add3A_202, %jit3A_203 : i32
    %ne3A_221 = arith.constant 0 : i32
    %ne3A_222 = arith.cmpi ne, %rem3A_220, %ne3A_221 : i32
    %and3A_223 = arith.andi %ne3A_219, %ne3A_222 : i1
    %sub3A_224 = arith.constant 1 : i32
    %sub3A_225 = arith.subi %div3A_204, %sub3A_224 : i32
    %select_n3A_226 = arith.select %and3A_223, %sub3A_225, %div3A_204 : i32
    %jit3A_227 = arith.constant 16 : i32
    %div3A_228 = arith.divsi %select_n3A_226, %jit3A_227 : i32
    %sign3A_229 = arith.constant 0 : i32
    %sign3A_230 = arith.cmpi sgt, %select_n3A_226, %sign3A_229 : i32
    %sign3A_231 = arith.extui %sign3A_230 : i1 to i32
    %sign3A_232 = arith.constant 0 : i32
    %sign3A_233 = arith.cmpi slt, %select_n3A_226, %sign3A_232 : i32
    %sign3A_234 = arith.extui %sign3A_233 : i1 to i32
    %sign3A_235 = arith.subi %sign3A_231, %sign3A_234 : i32
    %sign3A_236 = arith.constant 0 : i32
    %sign3A_237 = arith.cmpi sgt, %jit3A_227, %sign3A_236 : i32
    %sign3A_238 = arith.extui %sign3A_237 : i1 to i32
    %sign3A_239 = arith.constant 0 : i32
    %sign3A_240 = arith.cmpi slt, %jit3A_227, %sign3A_239 : i32
    %sign3A_241 = arith.extui %sign3A_240 : i1 to i32
    %sign3A_242 = arith.subi %sign3A_238, %sign3A_241 : i32
    %ne3A_243 = arith.cmpi ne, %sign3A_235, %sign3A_242 : i32
    %rem3A_244 = arith.remsi %select_n3A_226, %jit3A_227 : i32
    %ne3A_245 = arith.constant 0 : i32
    %ne3A_246 = arith.cmpi ne, %rem3A_244, %ne3A_245 : i32
    %and3A_247 = arith.andi %ne3A_243, %ne3A_246 : i1
    %sub3A_248 = arith.constant 1 : i32
    %sub3A_249 = arith.subi %div3A_228, %sub3A_248 : i32
    %select_n3A_250 = arith.select %and3A_247, %sub3A_249, %div3A_228 : i32
    %jit3A_251 = arith.constant 16 : i32
    %eq3A_252 = arith.constant 0 : i32
    %eq3A_253 = arith.cmpi eq, %jit3A_251, %eq3A_252 : i32
    %jit3A_254 = arith.constant 1 : i32
    %select_n3A_255 = arith.select %eq3A_253, %jit3A_254, %jit3A_251 : i32
    %rem3A_256 = arith.remsi %select_n3A_226, %select_n3A_255 : i32
    %ne3A_257 = arith.constant 0 : i32
    %ne3A_258 = arith.cmpi ne, %rem3A_256, %ne3A_257 : i32
    %lt3A_259 = arith.constant 0 : i32
    %lt3A_260 = arith.cmpi slt, %rem3A_256, %lt3A_259 : i32
    %lt3A_261 = arith.constant 0 : i32
    %lt3A_262 = arith.cmpi slt, %select_n3A_255, %lt3A_261 : i32
    %ne3A_263 = arith.xori %lt3A_260, %lt3A_262 : i1
    %and3A_264 = arith.andi %ne3A_263, %ne3A_258 : i1
    %add3A_265 = arith.addi %rem3A_256, %select_n3A_255 : i32
    %select_n3A_266 = arith.select %and3A_264, %add3A_265, %rem3A_256 : i32
    %jit3A_267 = arith.constant 2 : i32
    %eq3A_268 = arith.constant 0 : i32
    %eq3A_269 = arith.cmpi eq, %jit3A_267, %eq3A_268 : i32
    %jit3A_270 = arith.constant 1 : i32
    %select_n3A_271 = arith.select %eq3A_269, %jit3A_270, %jit3A_267 : i32
    %rem3A_272 = arith.remsi %add3A_202, %select_n3A_271 : i32
    %ne3A_273 = arith.constant 0 : i32
    %ne3A_274 = arith.cmpi ne, %rem3A_272, %ne3A_273 : i32
    %lt3A_275 = arith.constant 0 : i32
    %lt3A_276 = arith.cmpi slt, %rem3A_272, %lt3A_275 : i32
    %lt3A_277 = arith.constant 0 : i32
    %lt3A_278 = arith.cmpi slt, %select_n3A_271, %lt3A_277 : i32
    %ne3A_279 = arith.xori %lt3A_276, %lt3A_278 : i1
    %and3A_280 = arith.andi %ne3A_279, %ne3A_274 : i1
    %add3A_281 = arith.addi %rem3A_272, %select_n3A_271 : i32
    %select_n3A_282 = arith.select %and3A_280, %add3A_281, %rem3A_272 : i32
    %mul3A_283 = arith.constant 8 : i32
    %mul3A_284 = arith.muli %select_n3A_282, %mul3A_283 : i32
    %sub3A_285 = arith.constant 1 : i32
    %sub3A_286 = arith.subi %add3A_202, %sub3A_285 : i32
    %jit3A_287 = arith.constant 2 : i32
    %div3A_288 = arith.divsi %sub3A_286, %jit3A_287 : i32
    %sign3A_289 = arith.constant 0 : i32
    %sign3A_290 = arith.cmpi sgt, %sub3A_286, %sign3A_289 : i32
    %sign3A_291 = arith.extui %sign3A_290 : i1 to i32
    %sign3A_292 = arith.constant 0 : i32
    %sign3A_293 = arith.cmpi slt, %sub3A_286, %sign3A_292 : i32
    %sign3A_294 = arith.extui %sign3A_293 : i1 to i32
    %sign3A_295 = arith.subi %sign3A_291, %sign3A_294 : i32
    %sign3A_296 = arith.constant 0 : i32
    %sign3A_297 = arith.cmpi sgt, %jit3A_287, %sign3A_296 : i32
    %sign3A_298 = arith.extui %sign3A_297 : i1 to i32
    %sign3A_299 = arith.constant 0 : i32
    %sign3A_300 = arith.cmpi slt, %jit3A_287, %sign3A_299 : i32
    %sign3A_301 = arith.extui %sign3A_300 : i1 to i32
    %sign3A_302 = arith.subi %sign3A_298, %sign3A_301 : i32
    %ne3A_303 = arith.cmpi ne, %sign3A_295, %sign3A_302 : i32
    %rem3A_304 = arith.remsi %sub3A_286, %jit3A_287 : i32
    %ne3A_305 = arith.constant 0 : i32
    %ne3A_306 = arith.cmpi ne, %rem3A_304, %ne3A_305 : i32
    %and3A_307 = arith.andi %ne3A_303, %ne3A_306 : i1
    %sub3A_308 = arith.constant 1 : i32
    %sub3A_309 = arith.subi %div3A_288, %sub3A_308 : i32
    %select_n3A_310 = arith.select %and3A_307, %sub3A_309, %div3A_288 : i32
    %ne3A_311 = arith.cmpi ne, %select_n3A_226, %select_n3A_310 : i32
    %convert_element_type3A = arith.extui %ne3A_311 : i1 to i32
    %cond3A = arith.constant 0 : i32
    %cond3A_312 = arith.cmpi ne, %convert_element_type3A, %cond3A : i32
    scf.if %cond3A_312 {
      "tpu.region"() ({
        %run_scoped3A = tpu.sem_alloc : memref<!tpu.dma_semaphore, #tpu.memory_space<semaphore_mem>>
        %dma_start3A_575 = arith.constant 0 : i32
        %dma_start3A_576 = tpu.memref_slice %arg2[%select_n3A_250, %select_n3A_266, %dma_start3A_575] : memref<3x16x100000xf32, #tpu.memory_space<hbm>> -> memref<1x1x100000xf32, #tpu.memory_space<hbm>>
        %dma_start3A_577 = tpu.memref_squeeze %dma_start3A_576 : memref<1x1x100000xf32, #tpu.memory_space<hbm>> -> memref<100000xf32, #tpu.memory_space<hbm>>
        %dma_start3A_578 = arith.constant 0 : i32
        %dma_start3A_579 = tpu.memref_slice %arg2[%select_n3A_250, %select_n3A_266, %dma_start3A_578] : memref<3x16x100000xf32, #tpu.memory_space<hbm>> -> memref<1x1x100000xf32, #tpu.memory_space<hbm>>
        %dma_start3A_580 = tpu.memref_squeeze %dma_start3A_579 : memref<1x1x100000xf32, #tpu.memory_space<hbm>> -> memref<100000xf32, #tpu.memory_space<hbm>>
        tpu.enqueue_dma source(%dma_start3A_580 : memref<100000xf32, #tpu.memory_space<hbm>>) target(%arg5 : memref<100000xf32, #tpu.memory_space<vmem>>) target_semaphore(%run_scoped3A : memref<!tpu.dma_semaphore, #tpu.memory_space<semaphore_mem>>)
        %dma_wait3A_581 = arith.constant 0 : i32
        %dma_wait3A_582 = tpu.memref_slice %arg2[%select_n3A_250, %select_n3A_266, %dma_wait3A_581] : memref<3x16x100000xf32, #tpu.memory_space<hbm>> -> memref<1x1x100000xf32, #tpu.memory_space<hbm>>
        %dma_wait3A_583 = tpu.memref_squeeze %dma_wait3A_582 : memref<1x1x100000xf32, #tpu.memory_space<hbm>> -> memref<100000xf32, #tpu.memory_space<hbm>>
        %dma_wait3A_584 = arith.constant 0 : i32
        %dma_wait3A_585 = tpu.memref_slice %arg2[%select_n3A_250, %select_n3A_266, %dma_wait3A_584] : memref<3x16x100000xf32, #tpu.memory_space<hbm>> -> memref<1x1x100000xf32, #tpu.memory_space<hbm>>
        %dma_wait3A_586 = tpu.memref_squeeze %dma_wait3A_585 : memref<1x1x100000xf32, #tpu.memory_space<hbm>> -> memref<100000xf32, #tpu.memory_space<hbm>>
        tpu.wait_dma2 semaphore(%run_scoped3A : memref<!tpu.dma_semaphore, #tpu.memory_space<semaphore_mem>>) src(%dma_wait3A_586 : memref<100000xf32, #tpu.memory_space<hbm>>) dst(%arg5 : memref<100000xf32, #tpu.memory_space<vmem>>)
        tpu.yield
      }) : () -> ()
    } else {
    }
    %sub3A_313 = arith.constant 1 : i32
    %sub3A_314 = arith.subi %add3A_202, %sub3A_313 : i32
    %jit3A_315 = arith.constant 2 : i32
    %div3A_316 = arith.divsi %sub3A_314, %jit3A_315 : i32
    %sign3A_317 = arith.constant 0 : i32
    %sign3A_318 = arith.cmpi sgt, %sub3A_314, %sign3A_317 : i32
    %sign3A_319 = arith.extui %sign3A_318 : i1 to i32
    %sign3A_320 = arith.constant 0 : i32
    %sign3A_321 = arith.cmpi slt, %sub3A_314, %sign3A_320 : i32
    %sign3A_322 = arith.extui %sign3A_321 : i1 to i32
    %sign3A_323 = arith.subi %sign3A_319, %sign3A_322 : i32
    %sign3A_324 = arith.constant 0 : i32
    %sign3A_325 = arith.cmpi sgt, %jit3A_315, %sign3A_324 : i32
    %sign3A_326 = arith.extui %sign3A_325 : i1 to i32
    %sign3A_327 = arith.constant 0 : i32
    %sign3A_328 = arith.cmpi slt, %jit3A_315, %sign3A_327 : i32
    %sign3A_329 = arith.extui %sign3A_328 : i1 to i32
    %sign3A_330 = arith.subi %sign3A_326, %sign3A_329 : i32
    %ne3A_331 = arith.cmpi ne, %sign3A_323, %sign3A_330 : i32
    %rem3A_332 = arith.remsi %sub3A_314, %jit3A_315 : i32
    %ne3A_333 = arith.constant 0 : i32
    %ne3A_334 = arith.cmpi ne, %rem3A_332, %ne3A_333 : i32
    %and3A_335 = arith.andi %ne3A_331, %ne3A_334 : i1
    %sub3A_336 = arith.constant 1 : i32
    %sub3A_337 = arith.subi %div3A_316, %sub3A_336 : i32
    %select_n3A_338 = arith.select %and3A_335, %sub3A_337, %div3A_316 : i32
    %jit3A_339 = arith.constant 16 : i32
    %div3A_340 = arith.divsi %select_n3A_338, %jit3A_339 : i32
    %sign3A_341 = arith.constant 0 : i32
    %sign3A_342 = arith.cmpi sgt, %select_n3A_338, %sign3A_341 : i32
    %sign3A_343 = arith.extui %sign3A_342 : i1 to i32
    %sign3A_344 = arith.constant 0 : i32
    %sign3A_345 = arith.cmpi slt, %select_n3A_338, %sign3A_344 : i32
    %sign3A_346 = arith.extui %sign3A_345 : i1 to i32
    %sign3A_347 = arith.subi %sign3A_343, %sign3A_346 : i32
    %sign3A_348 = arith.constant 0 : i32
    %sign3A_349 = arith.cmpi sgt, %jit3A_339, %sign3A_348 : i32
    %sign3A_350 = arith.extui %sign3A_349 : i1 to i32
    %sign3A_351 = arith.constant 0 : i32
    %sign3A_352 = arith.cmpi slt, %jit3A_339, %sign3A_351 : i32
    %sign3A_353 = arith.extui %sign3A_352 : i1 to i32
    %sign3A_354 = arith.subi %sign3A_350, %sign3A_353 : i32
    %ne3A_355 = arith.cmpi ne, %sign3A_347, %sign3A_354 : i32
    %rem3A_356 = arith.remsi %select_n3A_338, %jit3A_339 : i32
    %ne3A_357 = arith.constant 0 : i32
    %ne3A_358 = arith.cmpi ne, %rem3A_356, %ne3A_357 : i32
    %and3A_359 = arith.andi %ne3A_355, %ne3A_358 : i1
    %sub3A_360 = arith.constant 1 : i32
    %sub3A_361 = arith.subi %div3A_340, %sub3A_360 : i32
    %select_n3A_362 = arith.select %and3A_359, %sub3A_361, %div3A_340 : i32
    %ne3A_363 = arith.cmpi ne, %select_n3A_250, %select_n3A_362 : i32
    %convert_element_type3A_364 = arith.extui %ne3A_363 : i1 to i32
    %cond3A_365 = arith.constant 0 : i32
    %cond3A_366 = arith.cmpi ne, %convert_element_type3A_364, %cond3A_365 : i32
    scf.if %cond3A_366 {
      "tpu.region"() ({
        %run_scoped3A = tpu.sem_alloc : memref<!tpu.dma_semaphore, #tpu.memory_space<semaphore_mem>>
        %dma_start3A_575 = arith.constant 0 : i32
        %dma_start3A_576 = arith.constant 0 : i32
        %dma_start3A_577 = tpu.memref_slice %arg3[%select_n3A_250, %dma_start3A_575, %dma_start3A_576] : memref<3x16x1024xi32, #tpu.memory_space<hbm>> -> memref<1x16x1024xi32, #tpu.memory_space<hbm>>
        %dma_start3A_578 = tpu.memref_squeeze %dma_start3A_577 : memref<1x16x1024xi32, #tpu.memory_space<hbm>> -> memref<16x1024xi32, #tpu.memory_space<hbm>>
        %dma_start3A_579 = arith.constant 0 : i32
        %dma_start3A_580 = arith.constant 0 : i32
        %dma_start3A_581 = tpu.memref_slice %arg3[%select_n3A_250, %dma_start3A_579, %dma_start3A_580] : memref<3x16x1024xi32, #tpu.memory_space<hbm>> -> memref<1x16x1024xi32, #tpu.memory_space<hbm>>
        %dma_start3A_582 = tpu.memref_squeeze %dma_start3A_581 : memref<1x16x1024xi32, #tpu.memory_space<hbm>> -> memref<16x1024xi32, #tpu.memory_space<hbm>>
        tpu.enqueue_dma source(%dma_start3A_582 : memref<16x1024xi32, #tpu.memory_space<hbm>>) target(%arg6 : memref<16x1024xi32, #tpu.memory_space<vmem>>) target_semaphore(%run_scoped3A : memref<!tpu.dma_semaphore, #tpu.memory_space<semaphore_mem>>)
        %dma_wait3A_583 = arith.constant 0 : i32
        %dma_wait3A_584 = arith.constant 0 : i32
        %dma_wait3A_585 = tpu.memref_slice %arg3[%select_n3A_250, %dma_wait3A_583, %dma_wait3A_584] : memref<3x16x1024xi32, #tpu.memory_space<hbm>> -> memref<1x16x1024xi32, #tpu.memory_space<hbm>>
        %dma_wait3A_586 = tpu.memref_squeeze %dma_wait3A_585 : memref<1x16x1024xi32, #tpu.memory_space<hbm>> -> memref<16x1024xi32, #tpu.memory_space<hbm>>
        %dma_wait3A_587 = arith.constant 0 : i32
        %dma_wait3A_588 = arith.constant 0 : i32
        %dma_wait3A_589 = tpu.memref_slice %arg3[%select_n3A_250, %dma_wait3A_587, %dma_wait3A_588] : memref<3x16x1024xi32, #tpu.memory_space<hbm>> -> memref<1x16x1024xi32, #tpu.memory_space<hbm>>
        %dma_wait3A_590 = tpu.memref_squeeze %dma_wait3A_589 : memref<1x16x1024xi32, #tpu.memory_space<hbm>> -> memref<16x1024xi32, #tpu.memory_space<hbm>>
        tpu.wait_dma2 semaphore(%run_scoped3A : memref<!tpu.dma_semaphore, #tpu.memory_space<semaphore_mem>>) src(%dma_wait3A_590 : memref<16x1024xi32, #tpu.memory_space<hbm>>) dst(%arg6 : memref<16x1024xi32, #tpu.memory_space<vmem>>)
        tpu.yield
      }) : () -> ()
    } else {
    }
    %dma_wait3A_367 = arith.constant 0 : i32
    %dma_wait3A_368 = tpu.memref_slice %arg4[%select_n3A_132, %mul3A_190, %dma_wait3A_367] : memref<48x16x1024xf32, #tpu.memory_space<hbm>> -> memref<1x8x1024xf32, #tpu.memory_space<hbm>>
    %dma_wait3A_369 = tpu.memref_squeeze %dma_wait3A_368 : memref<1x8x1024xf32, #tpu.memory_space<hbm>> -> memref<8x1024xf32, #tpu.memory_space<hbm>>
    %dma_wait3A_370 = arith.constant 0 : i32
    %dma_wait3A_371 = tpu.memref_slice %arg4[%select_n3A_132, %mul3A_190, %dma_wait3A_370] : memref<48x16x1024xf32, #tpu.memory_space<hbm>> -> memref<1x8x1024xf32, #tpu.memory_space<hbm>>
    %dma_wait3A_372 = tpu.memref_squeeze %dma_wait3A_371 : memref<1x8x1024xf32, #tpu.memory_space<hbm>> -> memref<8x1024xf32, #tpu.memory_space<hbm>>
    tpu.wait_dma2 semaphore(%arg10 : memref<!tpu.dma_semaphore, #tpu.memory_space<semaphore_mem>>) src(%arg7 : memref<8x1024xf32, #tpu.memory_space<vmem>>) dst(%dma_wait3A_372 : memref<8x1024xf32, #tpu.memory_space<hbm>>)
    %scan3A_373 = arith.constant 0 : i32
    %scan3A_374 = arith.constant 8 : i32
    %scan3A_375 = arith.addi %scan3A_373, %scan3A_374 : i32
    %scan3A_376 = arith.constant 1 : i32
    scf.for %scan3A_575 = %scan3A_373 to %scan3A_375 step %scan3A_376  : i32 {
      %mul3A_576 = arith.constant 1 : i32
      %mul3A_577 = arith.muli %scan3A_575, %mul3A_576 : i32
      %add3A_578 = arith.constant 0 : i32
      %add3A_579 = arith.addi %add3A_578, %mul3A_577 : i32
      %scan3A_580 = arith.constant 0 : i32
      %scan3A_581 = arith.constant 64 : i32
      %scan3A_582 = arith.addi %scan3A_580, %scan3A_581 : i32
      %scan3A_583 = arith.constant 1 : i32
      scf.for %scan3A_585 = %scan3A_580 to %scan3A_582 step %scan3A_583  : i32 {
        %mul3A_586 = arith.constant 1 : i32
        %mul3A_587 = arith.muli %scan3A_585, %mul3A_586 : i32
        %add3A_588 = arith.constant 0 : i32
        %add3A_589 = arith.addi %add3A_588, %mul3A_587 : i32
        %mul3A_590 = arith.constant 16 : i32
        %mul3A_591 = arith.muli %add3A_589, %mul3A_590 : i32
        %add3A_592 = arith.addi %mul3A_284, %add3A_579 : i32
        %get3A = arith.index_cast %add3A_592 : i32 to index
        %get3A_593 = arith.index_cast %mul3A_591 : i32 to index
        %get3A_594 = tpu.vector_load %arg6[%get3A, %get3A_593] {strides = array<i32>} : memref<16x1024xi32, #tpu.memory_space<vmem>>, vector<16xi32>,
        %gather3A = tpu.vector_load_idx %arg5[%get3A_594] : memref<100000xf32, #tpu.memory_space<vmem>>[vector<16xi32>], vector<16xf32>,
        %swap3A = arith.index_cast %add3A_579 : i32 to index
        %swap3A_595 = arith.index_cast %mul3A_591 : i32 to index
        %swap3A_596 = tpu.vector_load %arg7[%swap3A, %swap3A_595] {strides = array<i32>} : memref<8x1024xf32, #tpu.memory_space<vmem>>, vector<16xf32>,
        tpu.vector_store %arg7[%swap3A, %swap3A_595], %gather3A {strides = array<i32>} : memref<8x1024xf32, #tpu.memory_space<vmem>>, vector<16xf32>,
      }
      %scan3A_584 = arith.constant 64 : i32
    }
    %scan3A_377 = arith.constant 8 : i32
    %dma_start3A_378 = arith.constant 0 : i32
    %dma_start3A_379 = tpu.memref_slice %arg4[%select_n3A_226, %mul3A_284, %dma_start3A_378] : memref<48x16x1024xf32, #tpu.memory_space<hbm>> -> memref<1x8x1024xf32, #tpu.memory_space<hbm>>
    %dma_start3A_380 = tpu.memref_squeeze %dma_start3A_379 : memref<1x8x1024xf32, #tpu.memory_space<hbm>> -> memref<8x1024xf32, #tpu.memory_space<hbm>>
    %dma_start3A_381 = arith.constant 0 : i32
    %dma_start3A_382 = tpu.memref_slice %arg4[%select_n3A_226, %mul3A_284, %dma_start3A_381] : memref<48x16x1024xf32, #tpu.memory_space<hbm>> -> memref<1x8x1024xf32, #tpu.memory_space<hbm>>
    %dma_start3A_383 = tpu.memref_squeeze %dma_start3A_382 : memref<1x8x1024xf32, #tpu.memory_space<hbm>> -> memref<8x1024xf32, #tpu.memory_space<hbm>>
    tpu.enqueue_dma source(%arg7 : memref<8x1024xf32, #tpu.memory_space<vmem>>) target(%dma_start3A_383 : memref<8x1024xf32, #tpu.memory_space<hbm>>) target_semaphore(%arg10 : memref<!tpu.dma_semaphore, #tpu.memory_space<semaphore_mem>>)
    %add3A_384 = arith.constant 2 : i32
    %add3A_385 = arith.addi %mul3A_2, %add3A_384 : i32
    %jit3A_386 = arith.constant 2 : i32
    %div3A_387 = arith.divsi %add3A_385, %jit3A_386 : i32
    %sign3A_388 = arith.constant 0 : i32
    %sign3A_389 = arith.cmpi sgt, %add3A_385, %sign3A_388 : i32
    %sign3A_390 = arith.extui %sign3A_389 : i1 to i32
    %sign3A_391 = arith.constant 0 : i32
    %sign3A_392 = arith.cmpi slt, %add3A_385, %sign3A_391 : i32
    %sign3A_393 = arith.extui %sign3A_392 : i1 to i32
    %sign3A_394 = arith.subi %sign3A_390, %sign3A_393 : i32
    %sign3A_395 = arith.constant 0 : i32
    %sign3A_396 = arith.cmpi sgt, %jit3A_386, %sign3A_395 : i32
    %sign3A_397 = arith.extui %sign3A_396 : i1 to i32
    %sign3A_398 = arith.constant 0 : i32
    %sign3A_399 = arith.cmpi slt, %jit3A_386, %sign3A_398 : i32
    %sign3A_400 = arith.extui %sign3A_399 : i1 to i32
    %sign3A_401 = arith.subi %sign3A_397, %sign3A_400 : i32
    %ne3A_402 = arith.cmpi ne, %sign3A_394, %sign3A_401 : i32
    %rem3A_403 = arith.remsi %add3A_385, %jit3A_386 : i32
    %ne3A_404 = arith.constant 0 : i32
    %ne3A_405 = arith.cmpi ne, %rem3A_403, %ne3A_404 : i32
    %and3A_406 = arith.andi %ne3A_402, %ne3A_405 : i1
    %sub3A_407 = arith.constant 1 : i32
    %sub3A_408 = arith.subi %div3A_387, %sub3A_407 : i32
    %select_n3A_409 = arith.select %and3A_406, %sub3A_408, %div3A_387 : i32
    %jit3A_410 = arith.constant 16 : i32
    %div3A_411 = arith.divsi %select_n3A_409, %jit3A_410 : i32
    %sign3A_412 = arith.constant 0 : i32
    %sign3A_413 = arith.cmpi sgt, %select_n3A_409, %sign3A_412 : i32
    %sign3A_414 = arith.extui %sign3A_413 : i1 to i32
    %sign3A_415 = arith.constant 0 : i32
    %sign3A_416 = arith.cmpi slt, %select_n3A_409, %sign3A_415 : i32
    %sign3A_417 = arith.extui %sign3A_416 : i1 to i32
    %sign3A_418 = arith.subi %sign3A_414, %sign3A_417 : i32
    %sign3A_419 = arith.constant 0 : i32
    %sign3A_420 = arith.cmpi sgt, %jit3A_410, %sign3A_419 : i32
    %sign3A_421 = arith.extui %sign3A_420 : i1 to i32
    %sign3A_422 = arith.constant 0 : i32
    %sign3A_423 = arith.cmpi slt, %jit3A_410, %sign3A_422 : i32
    %sign3A_424 = arith.extui %sign3A_423 : i1 to i32
    %sign3A_425 = arith.subi %sign3A_421, %sign3A_424 : i32
    %ne3A_426 = arith.cmpi ne, %sign3A_418, %sign3A_425 : i32
    %rem3A_427 = arith.remsi %select_n3A_409, %jit3A_410 : i32
    %ne3A_428 = arith.constant 0 : i32
    %ne3A_429 = arith.cmpi ne, %rem3A_427, %ne3A_428 : i32
    %and3A_430 = arith.andi %ne3A_426, %ne3A_429 : i1
    %sub3A_431 = arith.constant 1 : i32
    %sub3A_432 = arith.subi %div3A_411, %sub3A_431 : i32
    %select_n3A_433 = arith.select %and3A_430, %sub3A_432, %div3A_411 : i32
    %jit3A_434 = arith.constant 16 : i32
    %eq3A_435 = arith.constant 0 : i32
    %eq3A_436 = arith.cmpi eq, %jit3A_434, %eq3A_435 : i32
    %jit3A_437 = arith.constant 1 : i32
    %select_n3A_438 = arith.select %eq3A_436, %jit3A_437, %jit3A_434 : i32
    %rem3A_439 = arith.remsi %select_n3A_409, %select_n3A_438 : i32
    %ne3A_440 = arith.constant 0 : i32
    %ne3A_441 = arith.cmpi ne, %rem3A_439, %ne3A_440 : i32
    %lt3A_442 = arith.constant 0 : i32
    %lt3A_443 = arith.cmpi slt, %rem3A_439, %lt3A_442 : i32
    %lt3A_444 = arith.constant 0 : i32
    %lt3A_445 = arith.cmpi slt, %select_n3A_438, %lt3A_444 : i32
    %ne3A_446 = arith.xori %lt3A_443, %lt3A_445 : i1
    %and3A_447 = arith.andi %ne3A_446, %ne3A_441 : i1
    %add3A_448 = arith.addi %rem3A_439, %select_n3A_438 : i32
    %select_n3A_449 = arith.select %and3A_447, %add3A_448, %rem3A_439 : i32
    %jit3A_450 = arith.constant 2 : i32
    %eq3A_451 = arith.constant 0 : i32
    %eq3A_452 = arith.cmpi eq, %jit3A_450, %eq3A_451 : i32
    %jit3A_453 = arith.constant 1 : i32
    %select_n3A_454 = arith.select %eq3A_452, %jit3A_453, %jit3A_450 : i32
    %rem3A_455 = arith.remsi %add3A_385, %select_n3A_454 : i32
    %ne3A_456 = arith.constant 0 : i32
    %ne3A_457 = arith.cmpi ne, %rem3A_455, %ne3A_456 : i32
    %lt3A_458 = arith.constant 0 : i32
    %lt3A_459 = arith.cmpi slt, %rem3A_455, %lt3A_458 : i32
    %lt3A_460 = arith.constant 0 : i32
    %lt3A_461 = arith.cmpi slt, %select_n3A_454, %lt3A_460 : i32
    %ne3A_462 = arith.xori %lt3A_459, %lt3A_461 : i1
    %and3A_463 = arith.andi %ne3A_462, %ne3A_457 : i1
    %add3A_464 = arith.addi %rem3A_455, %select_n3A_454 : i32
    %select_n3A_465 = arith.select %and3A_463, %add3A_464, %rem3A_455 : i32
    %mul3A_466 = arith.constant 8 : i32
    %mul3A_467 = arith.muli %select_n3A_465, %mul3A_466 : i32
    %sub3A_468 = arith.constant 1 : i32
    %sub3A_469 = arith.subi %add3A_385, %sub3A_468 : i32
    %jit3A_470 = arith.constant 2 : i32
    %div3A_471 = arith.divsi %sub3A_469, %jit3A_470 : i32
    %sign3A_472 = arith.constant 0 : i32
    %sign3A_473 = arith.cmpi sgt, %sub3A_469, %sign3A_472 : i32
    %sign3A_474 = arith.extui %sign3A_473 : i1 to i32
    %sign3A_475 = arith.constant 0 : i32
    %sign3A_476 = arith.cmpi slt, %sub3A_469, %sign3A_475 : i32
    %sign3A_477 = arith.extui %sign3A_476 : i1 to i32
    %sign3A_478 = arith.subi %sign3A_474, %sign3A_477 : i32
    %sign3A_479 = arith.constant 0 : i32
    %sign3A_480 = arith.cmpi sgt, %jit3A_470, %sign3A_479 : i32
    %sign3A_481 = arith.extui %sign3A_480 : i1 to i32
    %sign3A_482 = arith.constant 0 : i32
    %sign3A_483 = arith.cmpi slt, %jit3A_470, %sign3A_482 : i32
    %sign3A_484 = arith.extui %sign3A_483 : i1 to i32
    %sign3A_485 = arith.subi %sign3A_481, %sign3A_484 : i32
    %ne3A_486 = arith.cmpi ne, %sign3A_478, %sign3A_485 : i32
    %rem3A_487 = arith.remsi %sub3A_469, %jit3A_470 : i32
    %ne3A_488 = arith.constant 0 : i32
    %ne3A_489 = arith.cmpi ne, %rem3A_487, %ne3A_488 : i32
    %and3A_490 = arith.andi %ne3A_486, %ne3A_489 : i1
    %sub3A_491 = arith.constant 1 : i32
    %sub3A_492 = arith.subi %div3A_471, %sub3A_491 : i32
    %select_n3A_493 = arith.select %and3A_490, %sub3A_492, %div3A_471 : i32
    %ne3A_494 = arith.cmpi ne, %select_n3A_409, %select_n3A_493 : i32
    %convert_element_type3A_495 = arith.extui %ne3A_494 : i1 to i32
    %cond3A_496 = arith.constant 0 : i32
    %cond3A_497 = arith.cmpi ne, %convert_element_type3A_495, %cond3A_496 : i32
    scf.if %cond3A_497 {
      "tpu.region"() ({
        %run_scoped3A = tpu.sem_alloc : memref<!tpu.dma_semaphore, #tpu.memory_space<semaphore_mem>>
        %dma_start3A_575 = arith.constant 0 : i32
        %dma_start3A_576 = tpu.memref_slice %arg2[%select_n3A_433, %select_n3A_449, %dma_start3A_575] : memref<3x16x100000xf32, #tpu.memory_space<hbm>> -> memref<1x1x100000xf32, #tpu.memory_space<hbm>>
        %dma_start3A_577 = tpu.memref_squeeze %dma_start3A_576 : memref<1x1x100000xf32, #tpu.memory_space<hbm>> -> memref<100000xf32, #tpu.memory_space<hbm>>
        %dma_start3A_578 = arith.constant 0 : i32
        %dma_start3A_579 = tpu.memref_slice %arg2[%select_n3A_433, %select_n3A_449, %dma_start3A_578] : memref<3x16x100000xf32, #tpu.memory_space<hbm>> -> memref<1x1x100000xf32, #tpu.memory_space<hbm>>
        %dma_start3A_580 = tpu.memref_squeeze %dma_start3A_579 : memref<1x1x100000xf32, #tpu.memory_space<hbm>> -> memref<100000xf32, #tpu.memory_space<hbm>>
        tpu.enqueue_dma source(%dma_start3A_580 : memref<100000xf32, #tpu.memory_space<hbm>>) target(%arg5 : memref<100000xf32, #tpu.memory_space<vmem>>) target_semaphore(%run_scoped3A : memref<!tpu.dma_semaphore, #tpu.memory_space<semaphore_mem>>)
        %dma_wait3A_581 = arith.constant 0 : i32
        %dma_wait3A_582 = tpu.memref_slice %arg2[%select_n3A_433, %select_n3A_449, %dma_wait3A_581] : memref<3x16x100000xf32, #tpu.memory_space<hbm>> -> memref<1x1x100000xf32, #tpu.memory_space<hbm>>
        %dma_wait3A_583 = tpu.memref_squeeze %dma_wait3A_582 : memref<1x1x100000xf32, #tpu.memory_space<hbm>> -> memref<100000xf32, #tpu.memory_space<hbm>>
        %dma_wait3A_584 = arith.constant 0 : i32
        %dma_wait3A_585 = tpu.memref_slice %arg2[%select_n3A_433, %select_n3A_449, %dma_wait3A_584] : memref<3x16x100000xf32, #tpu.memory_space<hbm>> -> memref<1x1x100000xf32, #tpu.memory_space<hbm>>
        %dma_wait3A_586 = tpu.memref_squeeze %dma_wait3A_585 : memref<1x1x100000xf32, #tpu.memory_space<hbm>> -> memref<100000xf32, #tpu.memory_space<hbm>>
        tpu.wait_dma2 semaphore(%run_scoped3A : memref<!tpu.dma_semaphore, #tpu.memory_space<semaphore_mem>>) src(%dma_wait3A_586 : memref<100000xf32, #tpu.memory_space<hbm>>) dst(%arg5 : memref<100000xf32, #tpu.memory_space<vmem>>)
        tpu.yield
      }) : () -> ()
    } else {
    }
    %sub3A_498 = arith.constant 1 : i32
    %sub3A_499 = arith.subi %add3A_385, %sub3A_498 : i32
    %jit3A_500 = arith.constant 2 : i32
    %div3A_501 = arith.divsi %sub3A_499, %jit3A_500 : i32
    %sign3A_502 = arith.constant 0 : i32
    %sign3A_503 = arith.cmpi sgt, %sub3A_499, %sign3A_502 : i32
    %sign3A_504 = arith.extui %sign3A_503 : i1 to i32
    %sign3A_505 = arith.constant 0 : i32
    %sign3A_506 = arith.cmpi slt, %sub3A_499, %sign3A_505 : i32
    %sign3A_507 = arith.extui %sign3A_506 : i1 to i32
    %sign3A_508 = arith.subi %sign3A_504, %sign3A_507 : i32
    %sign3A_509 = arith.constant 0 : i32
    %sign3A_510 = arith.cmpi sgt, %jit3A_500, %sign3A_509 : i32
    %sign3A_511 = arith.extui %sign3A_510 : i1 to i32
    %sign3A_512 = arith.constant 0 : i32
    %sign3A_513 = arith.cmpi slt, %jit3A_500, %sign3A_512 : i32
    %sign3A_514 = arith.extui %sign3A_513 : i1 to i32
    %sign3A_515 = arith.subi %sign3A_511, %sign3A_514 : i32
    %ne3A_516 = arith.cmpi ne, %sign3A_508, %sign3A_515 : i32
    %rem3A_517 = arith.remsi %sub3A_499, %jit3A_500 : i32
    %ne3A_518 = arith.constant 0 : i32
    %ne3A_519 = arith.cmpi ne, %rem3A_517, %ne3A_518 : i32
    %and3A_520 = arith.andi %ne3A_516, %ne3A_519 : i1
    %sub3A_521 = arith.constant 1 : i32
    %sub3A_522 = arith.subi %div3A_501, %sub3A_521 : i32
    %select_n3A_523 = arith.select %and3A_520, %sub3A_522, %div3A_501 : i32
    %jit3A_524 = arith.constant 16 : i32
    %div3A_525 = arith.divsi %select_n3A_523, %jit3A_524 : i32
    %sign3A_526 = arith.constant 0 : i32
    %sign3A_527 = arith.cmpi sgt, %select_n3A_523, %sign3A_526 : i32
    %sign3A_528 = arith.extui %sign3A_527 : i1 to i32
    %sign3A_529 = arith.constant 0 : i32
    %sign3A_530 = arith.cmpi slt, %select_n3A_523, %sign3A_529 : i32
    %sign3A_531 = arith.extui %sign3A_530 : i1 to i32
    %sign3A_532 = arith.subi %sign3A_528, %sign3A_531 : i32
    %sign3A_533 = arith.constant 0 : i32
    %sign3A_534 = arith.cmpi sgt, %jit3A_524, %sign3A_533 : i32
    %sign3A_535 = arith.extui %sign3A_534 : i1 to i32
    %sign3A_536 = arith.constant 0 : i32
    %sign3A_537 = arith.cmpi slt, %jit3A_524, %sign3A_536 : i32
    %sign3A_538 = arith.extui %sign3A_537 : i1 to i32
    %sign3A_539 = arith.subi %sign3A_535, %sign3A_538 : i32
    %ne3A_540 = arith.cmpi ne, %sign3A_532, %sign3A_539 : i32
    %rem3A_541 = arith.remsi %select_n3A_523, %jit3A_524 : i32
    %ne3A_542 = arith.constant 0 : i32
    %ne3A_543 = arith.cmpi ne, %rem3A_541, %ne3A_542 : i32
    %and3A_544 = arith.andi %ne3A_540, %ne3A_543 : i1
    %sub3A_545 = arith.constant 1 : i32
    %sub3A_546 = arith.subi %div3A_525, %sub3A_545 : i32
    %select_n3A_547 = arith.select %and3A_544, %sub3A_546, %div3A_525 : i32
    %ne3A_548 = arith.cmpi ne, %select_n3A_433, %select_n3A_547 : i32
    %convert_element_type3A_549 = arith.extui %ne3A_548 : i1 to i32
    %cond3A_550 = arith.constant 0 : i32
    %cond3A_551 = arith.cmpi ne, %convert_element_type3A_549, %cond3A_550 : i32
    scf.if %cond3A_551 {
      "tpu.region"() ({
        %run_scoped3A = tpu.sem_alloc : memref<!tpu.dma_semaphore, #tpu.memory_space<semaphore_mem>>
        %dma_start3A_575 = arith.constant 0 : i32
        %dma_start3A_576 = arith.constant 0 : i32
        %dma_start3A_577 = tpu.memref_slice %arg3[%select_n3A_433, %dma_start3A_575, %dma_start3A_576] : memref<3x16x1024xi32, #tpu.memory_space<hbm>> -> memref<1x16x1024xi32, #tpu.memory_space<hbm>>
        %dma_start3A_578 = tpu.memref_squeeze %dma_start3A_577 : memref<1x16x1024xi32, #tpu.memory_space<hbm>> -> memref<16x1024xi32, #tpu.memory_space<hbm>>
        %dma_start3A_579 = arith.constant 0 : i32
        %dma_start3A_580 = arith.constant 0 : i32
        %dma_start3A_581 = tpu.memref_slice %arg3[%select_n3A_433, %dma_start3A_579, %dma_start3A_580] : memref<3x16x1024xi32, #tpu.memory_space<hbm>> -> memref<1x16x1024xi32, #tpu.memory_space<hbm>>
        %dma_start3A_582 = tpu.memref_squeeze %dma_start3A_581 : memref<1x16x1024xi32, #tpu.memory_space<hbm>> -> memref<16x1024xi32, #tpu.memory_space<hbm>>
        tpu.enqueue_dma source(%dma_start3A_582 : memref<16x1024xi32, #tpu.memory_space<hbm>>) target(%arg6 : memref<16x1024xi32, #tpu.memory_space<vmem>>) target_semaphore(%run_scoped3A : memref<!tpu.dma_semaphore, #tpu.memory_space<semaphore_mem>>)
        %dma_wait3A_583 = arith.constant 0 : i32
        %dma_wait3A_584 = arith.constant 0 : i32
        %dma_wait3A_585 = tpu.memref_slice %arg3[%select_n3A_433, %dma_wait3A_583, %dma_wait3A_584] : memref<3x16x1024xi32, #tpu.memory_space<hbm>> -> memref<1x16x1024xi32, #tpu.memory_space<hbm>>
        %dma_wait3A_586 = tpu.memref_squeeze %dma_wait3A_585 : memref<1x16x1024xi32, #tpu.memory_space<hbm>> -> memref<16x1024xi32, #tpu.memory_space<hbm>>
        %dma_wait3A_587 = arith.constant 0 : i32
        %dma_wait3A_588 = arith.constant 0 : i32
        %dma_wait3A_589 = tpu.memref_slice %arg3[%select_n3A_433, %dma_wait3A_587, %dma_wait3A_588] : memref<3x16x1024xi32, #tpu.memory_space<hbm>> -> memref<1x16x1024xi32, #tpu.memory_space<hbm>>
        %dma_wait3A_590 = tpu.memref_squeeze %dma_wait3A_589 : memref<1x16x1024xi32, #tpu.memory_space<hbm>> -> memref<16x1024xi32, #tpu.memory_space<hbm>>
        tpu.wait_dma2 semaphore(%run_scoped3A : memref<!tpu.dma_semaphore, #tpu.memory_space<semaphore_mem>>) src(%dma_wait3A_590 : memref<16x1024xi32, #tpu.memory_space<hbm>>) dst(%arg6 : memref<16x1024xi32, #tpu.memory_space<vmem>>)
        tpu.yield
      }) : () -> ()
    } else {
    }
    %dma_wait3A_552 = arith.constant 0 : i32
    %dma_wait3A_553 = tpu.memref_slice %arg4[%select_n3A_226, %mul3A_284, %dma_wait3A_552] : memref<48x16x1024xf32, #tpu.memory_space<hbm>> -> memref<1x8x1024xf32, #tpu.memory_space<hbm>>
    %dma_wait3A_554 = tpu.memref_squeeze %dma_wait3A_553 : memref<1x8x1024xf32, #tpu.memory_space<hbm>> -> memref<8x1024xf32, #tpu.memory_space<hbm>>
    %dma_wait3A_555 = arith.constant 0 : i32
    %dma_wait3A_556 = tpu.memref_slice %arg4[%select_n3A_226, %mul3A_284, %dma_wait3A_555] : memref<48x16x1024xf32, #tpu.memory_space<hbm>> -> memref<1x8x1024xf32, #tpu.memory_space<hbm>>
    %dma_wait3A_557 = tpu.memref_squeeze %dma_wait3A_556 : memref<1x8x1024xf32, #tpu.memory_space<hbm>> -> memref<8x1024xf32, #tpu.memory_space<hbm>>
    tpu.wait_dma2 semaphore(%arg10 : memref<!tpu.dma_semaphore, #tpu.memory_space<semaphore_mem>>) src(%arg7 : memref<8x1024xf32, #tpu.memory_space<vmem>>) dst(%dma_wait3A_557 : memref<8x1024xf32, #tpu.memory_space<hbm>>)
    %scan3A_558 = arith.constant 0 : i32
    %scan3A_559 = arith.constant 8 : i32
    %scan3A_560 = arith.addi %scan3A_558, %scan3A_559 : i32
    %scan3A_561 = arith.constant 1 : i32
    scf.for %scan3A_575 = %scan3A_558 to %scan3A_560 step %scan3A_561  : i32 {
      %mul3A_576 = arith.constant 1 : i32
      %mul3A_577 = arith.muli %scan3A_575, %mul3A_576 : i32
      %add3A_578 = arith.constant 0 : i32
      %add3A_579 = arith.addi %add3A_578, %mul3A_577 : i32
      %scan3A_580 = arith.constant 0 : i32
      %scan3A_581 = arith.constant 64 : i32
      %scan3A_582 = arith.addi %scan3A_580, %scan3A_581 : i32
      %scan3A_583 = arith.constant 1 : i32
      scf.for %scan3A_585 = %scan3A_580 to %scan3A_582 step %scan3A_583  : i32 {
        %mul3A_586 = arith.constant 1 : i32
        %mul3A_587 = arith.muli %scan3A_585, %mul3A_586 : i32
        %add3A_588 = arith.constant 0 : i32
        %add3A_589 = arith.addi %add3A_588, %mul3A_587 : i32
        %mul3A_590 = arith.constant 16 : i32
        %mul3A_591 = arith.muli %add3A_589, %mul3A_590 : i32
        %add3A_592 = arith.addi %mul3A_467, %add3A_579 : i32
        %get3A = arith.index_cast %add3A_592 : i32 to index
        %get3A_593 = arith.index_cast %mul3A_591 : i32 to index
        %get3A_594 = tpu.vector_load %arg6[%get3A, %get3A_593] {strides = array<i32>} : memref<16x1024xi32, #tpu.memory_space<vmem>>, vector<16xi32>,
        %gather3A = tpu.vector_load_idx %arg5[%get3A_594] : memref<100000xf32, #tpu.memory_space<vmem>>[vector<16xi32>], vector<16xf32>,
        %swap3A = arith.index_cast %add3A_579 : i32 to index
        %swap3A_595 = arith.index_cast %mul3A_591 : i32 to index
        %swap3A_596 = tpu.vector_load %arg7[%swap3A, %swap3A_595] {strides = array<i32>} : memref<8x1024xf32, #tpu.memory_space<vmem>>, vector<16xf32>,
        tpu.vector_store %arg7[%swap3A, %swap3A_595], %gather3A {strides = array<i32>} : memref<8x1024xf32, #tpu.memory_space<vmem>>, vector<16xf32>,
      }
      %scan3A_584 = arith.constant 64 : i32
    }
    %scan3A_562 = arith.constant 8 : i32
    %dma_start3A_563 = arith.constant 0 : i32
    %dma_start3A_564 = tpu.memref_slice %arg4[%select_n3A_409, %mul3A_467, %dma_start3A_563] : memref<48x16x1024xf32, #tpu.memory_space<hbm>> -> memref<1x8x1024xf32, #tpu.memory_space<hbm>>
    %dma_start3A_565 = tpu.memref_squeeze %dma_start3A_564 : memref<1x8x1024xf32, #tpu.memory_space<hbm>> -> memref<8x1024xf32, #tpu.memory_space<hbm>>
    %dma_start3A_566 = arith.constant 0 : i32
    %dma_start3A_567 = tpu.memref_slice %arg4[%select_n3A_409, %mul3A_467, %dma_start3A_566] : memref<48x16x1024xf32, #tpu.memory_space<hbm>> -> memref<1x8x1024xf32, #tpu.memory_space<hbm>>
    %dma_start3A_568 = tpu.memref_squeeze %dma_start3A_567 : memref<1x8x1024xf32, #tpu.memory_space<hbm>> -> memref<8x1024xf32, #tpu.memory_space<hbm>>
    tpu.enqueue_dma source(%arg7 : memref<8x1024xf32, #tpu.memory_space<vmem>>) target(%dma_start3A_568 : memref<8x1024xf32, #tpu.memory_space<hbm>>) target_semaphore(%arg10 : memref<!tpu.dma_semaphore, #tpu.memory_space<semaphore_mem>>)
    %dma_wait3A_569 = arith.constant 0 : i32
    %dma_wait3A_570 = tpu.memref_slice %arg4[%select_n3A_409, %mul3A_467, %dma_wait3A_569] : memref<48x16x1024xf32, #tpu.memory_space<hbm>> -> memref<1x8x1024xf32, #tpu.memory_space<hbm>>
    %dma_wait3A_571 = tpu.memref_squeeze %dma_wait3A_570 : memref<1x8x1024xf32, #tpu.memory_space<hbm>> -> memref<8x1024xf32, #tpu.memory_space<hbm>>
    %dma_wait3A_572 = arith.constant 0 : i32
    %dma_wait3A_573 = tpu.memref_slice %arg4[%select_n3A_409, %mul3A_467, %dma_wait3A_572] : memref<48x16x1024xf32, #tpu.memory_space<hbm>> -> memref<1x8x1024xf32, #tpu.memory_space<hbm>>
    %dma_wait3A_574 = tpu.memref_squeeze %dma_wait3A_573 : memref<1x8x1024xf32, #tpu.memory_space<hbm>> -> memref<8x1024xf32, #tpu.memory_space<hbm>>
    tpu.wait_dma2 semaphore(%arg10 : memref<!tpu.dma_semaphore, #tpu.memory_space<semaphore_mem>>) src(%arg7 : memref<8x1024xf32, #tpu.memory_space<vmem>>) dst(%dma_wait3A_574 : memref<8x1024xf32, #tpu.memory_space<hbm>>)
    return
  }
}

module attributes {stable_mosaic.version = 14 : i64} {
  func.func @body(%arg0: i32, %arg1: memref<16x1x16x1024xf32, #tpu.memory_space<vmem>>, %arg2: memref<48x16x1024xf32, #tpu.memory_space<vmem>>, %arg3: memref<4x16x1024xi32, #tpu.memory_space<vmem>>, %arg4: memref<1x9x16x1024xi32, #tpu.memory_space<vmem>>, %arg5: memref<1x6x16x1024xf32, #tpu.memory_space<vmem>>, %arg6: memref<16xf32, #tpu.memory_space<smem>>, %arg7: memref<16xf32, #tpu.memory_space<smem>>, %arg8: memref<36xf32, #tpu.memory_space<smem>>, %arg9: memref<36xf32, #tpu.memory_space<smem>>, %arg10: memref<1x122x16x1024xf32, #tpu.memory_space<vmem>>) attributes {dimension_semantics = [#tpu.dimension_semantics<arbitrary>], iteration_bounds = array<i64: 12>, scalar_prefetch = 0 : i64, scratch_operands = 0 : i64, tpu.core_type = #tpu.core_type<tc>, window_params = [{transform_indices = @transform_0, window_bounds = array<i64: 16, 1, 16, 1024>}, {pipeline_mode = #tpu.pipeline_mode<synchronous>, transform_indices = @transform_1, window_bounds = array<i64: 48, 16, 1024>}, {pipeline_mode = #tpu.pipeline_mode<synchronous>, transform_indices = @transform_2, window_bounds = array<i64: 4, 16, 1024>}, {transform_indices = @transform_3, window_bounds = array<i64: 1, 9, 16, 1024>}, {transform_indices = @transform_4, window_bounds = array<i64: 1, 6, 16, 1024>}, {transform_indices = @transform_5, window_bounds = array<i64: 16>}, {transform_indices = @transform_6, window_bounds = array<i64: 16>}, {transform_indices = @transform_7, window_bounds = array<i64: 36>}, {transform_indices = @transform_8, window_bounds = array<i64: 36>}, {transform_indices = @transform_9, window_bounds = array<i64: 1, 122, 16, 1024>}]} {
    %get3A = arith.constant 0 : index
    %get3A_0 = arith.constant 0 : index
    %get3A_1 = arith.constant 0 : index
    %get3A_2 = arith.constant 0 : index
    %get3A_3 = vector.load %arg1[%get3A, %get3A_0, %get3A_1, %get3A_2] : memref<16x1x16x1024xf32, #tpu.memory_space<vmem>>, vector<16x1x16x1024xf32>
    %get3A_4 = vector.shape_cast %get3A_3 : vector<16x1x16x1024xf32> to vector<16x16x1024xf32>
    %transpose3A = tpu.transpose %get3A_4, [1, 0, 2] : vector<16x16x1024xf32> -> vector<16x16x1024xf32>
    %get3A_5 = arith.constant 0 : index
    %get3A_6 = arith.constant 0 : index
    %get3A_7 = arith.constant 0 : index
    %get3A_8 = vector.load %arg3[%get3A_5, %get3A_6, %get3A_7] : memref<4x16x1024xi32, #tpu.memory_space<vmem>>, vector<4x16x1024xi32>
    %convert_element_type3A = arith.sitofp %get3A_8 : vector<4x16x1024xi32> to vector<4x16x1024xf32>
    %get3A_9 = arith.constant 0 : index
    %get3A_10 = arith.constant 0 : index
    %get3A_11 = arith.constant 0 : index
    %get3A_12 = arith.constant 0 : index
    %get3A_13 = vector.load %arg4[%get3A_9, %get3A_10, %get3A_11, %get3A_12] : memref<1x9x16x1024xi32, #tpu.memory_space<vmem>>, vector<1x9x16x1024xi32>
    %get3A_14 = vector.shape_cast %get3A_13 : vector<1x9x16x1024xi32> to vector<9x16x1024xi32>
    %convert_element_type3A_15 = arith.sitofp %get3A_14 : vector<9x16x1024xi32> to vector<9x16x1024xf32>
    %get3A_16 = arith.constant 0 : index
    %get3A_17 = memref.load %arg7[%get3A_16] : memref<16xf32, #tpu.memory_space<smem>>
    %get3A_18 = arith.constant 0 : index
    %get3A_19 = memref.load %arg6[%get3A_18] : memref<16xf32, #tpu.memory_space<smem>>
    %slice3A = vector.extract_strided_slice %convert_element_type3A {offsets = [0, 0, 0], sizes = [1, 16, 1024], strides = [1, 1, 1]} : vector<4x16x1024xf32> to vector<1x16x1024xf32>
    %squeeze3A = vector.shape_cast %slice3A : vector<1x16x1024xf32> to vector<16x1024xf32>
    %mul3A = vector.broadcast %get3A_19 : f32 to vector<16x1024xf32>
    %mul3A_20 = arith.mulf %mul3A, %squeeze3A : vector<16x1024xf32>
    %add3A = vector.broadcast %get3A_17 : f32 to vector<16x1024xf32>
    %add3A_21 = arith.addf %add3A, %mul3A_20 : vector<16x1024xf32>
    %get3A_22 = arith.constant 1 : index
    %get3A_23 = memref.load %arg7[%get3A_22] : memref<16xf32, #tpu.memory_space<smem>>
    %get3A_24 = arith.constant 1 : index
    %get3A_25 = memref.load %arg6[%get3A_24] : memref<16xf32, #tpu.memory_space<smem>>
    %slice3A_26 = vector.extract_strided_slice %convert_element_type3A {offsets = [0, 0, 0], sizes = [1, 16, 1024], strides = [1, 1, 1]} : vector<4x16x1024xf32> to vector<1x16x1024xf32>
    %squeeze3A_27 = vector.shape_cast %slice3A_26 : vector<1x16x1024xf32> to vector<16x1024xf32>
    %mul3A_28 = vector.broadcast %get3A_25 : f32 to vector<16x1024xf32>
    %mul3A_29 = arith.mulf %mul3A_28, %squeeze3A_27 : vector<16x1024xf32>
    %add3A_30 = vector.broadcast %get3A_23 : f32 to vector<16x1024xf32>
    %add3A_31 = arith.addf %add3A_30, %mul3A_29 : vector<16x1024xf32>
    %get3A_32 = arith.constant 2 : index
    %get3A_33 = memref.load %arg7[%get3A_32] : memref<16xf32, #tpu.memory_space<smem>>
    %get3A_34 = arith.constant 2 : index
    %get3A_35 = memref.load %arg6[%get3A_34] : memref<16xf32, #tpu.memory_space<smem>>
    %slice3A_36 = vector.extract_strided_slice %convert_element_type3A {offsets = [0, 0, 0], sizes = [1, 16, 1024], strides = [1, 1, 1]} : vector<4x16x1024xf32> to vector<1x16x1024xf32>
    %squeeze3A_37 = vector.shape_cast %slice3A_36 : vector<1x16x1024xf32> to vector<16x1024xf32>
    %mul3A_38 = vector.broadcast %get3A_35 : f32 to vector<16x1024xf32>
    %mul3A_39 = arith.mulf %mul3A_38, %squeeze3A_37 : vector<16x1024xf32>
    %add3A_40 = vector.broadcast %get3A_33 : f32 to vector<16x1024xf32>
    %add3A_41 = arith.addf %add3A_40, %mul3A_39 : vector<16x1024xf32>
    %get3A_42 = arith.constant 3 : index
    %get3A_43 = memref.load %arg7[%get3A_42] : memref<16xf32, #tpu.memory_space<smem>>
    %get3A_44 = arith.constant 3 : index
    %get3A_45 = memref.load %arg6[%get3A_44] : memref<16xf32, #tpu.memory_space<smem>>
    %slice3A_46 = vector.extract_strided_slice %convert_element_type3A {offsets = [0, 0, 0], sizes = [1, 16, 1024], strides = [1, 1, 1]} : vector<4x16x1024xf32> to vector<1x16x1024xf32>
    %squeeze3A_47 = vector.shape_cast %slice3A_46 : vector<1x16x1024xf32> to vector<16x1024xf32>
    %mul3A_48 = vector.broadcast %get3A_45 : f32 to vector<16x1024xf32>
    %mul3A_49 = arith.mulf %mul3A_48, %squeeze3A_47 : vector<16x1024xf32>
    %add3A_50 = vector.broadcast %get3A_43 : f32 to vector<16x1024xf32>
    %add3A_51 = arith.addf %add3A_50, %mul3A_49 : vector<16x1024xf32>
    %get3A_52 = arith.constant 4 : index
    %get3A_53 = memref.load %arg7[%get3A_52] : memref<16xf32, #tpu.memory_space<smem>>
    %get3A_54 = arith.constant 4 : index
    %get3A_55 = memref.load %arg6[%get3A_54] : memref<16xf32, #tpu.memory_space<smem>>
    %slice3A_56 = vector.extract_strided_slice %convert_element_type3A {offsets = [1, 0, 0], sizes = [1, 16, 1024], strides = [1, 1, 1]} : vector<4x16x1024xf32> to vector<1x16x1024xf32>
    %squeeze3A_57 = vector.shape_cast %slice3A_56 : vector<1x16x1024xf32> to vector<16x1024xf32>
    %mul3A_58 = vector.broadcast %get3A_55 : f32 to vector<16x1024xf32>
    %mul3A_59 = arith.mulf %mul3A_58, %squeeze3A_57 : vector<16x1024xf32>
    %add3A_60 = vector.broadcast %get3A_53 : f32 to vector<16x1024xf32>
    %add3A_61 = arith.addf %add3A_60, %mul3A_59 : vector<16x1024xf32>
    %get3A_62 = arith.constant 5 : index
    %get3A_63 = memref.load %arg7[%get3A_62] : memref<16xf32, #tpu.memory_space<smem>>
    %get3A_64 = arith.constant 5 : index
    %get3A_65 = memref.load %arg6[%get3A_64] : memref<16xf32, #tpu.memory_space<smem>>
    %slice3A_66 = vector.extract_strided_slice %convert_element_type3A {offsets = [1, 0, 0], sizes = [1, 16, 1024], strides = [1, 1, 1]} : vector<4x16x1024xf32> to vector<1x16x1024xf32>
    %squeeze3A_67 = vector.shape_cast %slice3A_66 : vector<1x16x1024xf32> to vector<16x1024xf32>
    %mul3A_68 = vector.broadcast %get3A_65 : f32 to vector<16x1024xf32>
    %mul3A_69 = arith.mulf %mul3A_68, %squeeze3A_67 : vector<16x1024xf32>
    %add3A_70 = vector.broadcast %get3A_63 : f32 to vector<16x1024xf32>
    %add3A_71 = arith.addf %add3A_70, %mul3A_69 : vector<16x1024xf32>
    %get3A_72 = arith.constant 6 : index
    %get3A_73 = memref.load %arg7[%get3A_72] : memref<16xf32, #tpu.memory_space<smem>>
    %get3A_74 = arith.constant 6 : index
    %get3A_75 = memref.load %arg6[%get3A_74] : memref<16xf32, #tpu.memory_space<smem>>
    %slice3A_76 = vector.extract_strided_slice %convert_element_type3A {offsets = [1, 0, 0], sizes = [1, 16, 1024], strides = [1, 1, 1]} : vector<4x16x1024xf32> to vector<1x16x1024xf32>
    %squeeze3A_77 = vector.shape_cast %slice3A_76 : vector<1x16x1024xf32> to vector<16x1024xf32>
    %mul3A_78 = vector.broadcast %get3A_75 : f32 to vector<16x1024xf32>
    %mul3A_79 = arith.mulf %mul3A_78, %squeeze3A_77 : vector<16x1024xf32>
    %add3A_80 = vector.broadcast %get3A_73 : f32 to vector<16x1024xf32>
    %add3A_81 = arith.addf %add3A_80, %mul3A_79 : vector<16x1024xf32>
    %get3A_82 = arith.constant 7 : index
    %get3A_83 = memref.load %arg7[%get3A_82] : memref<16xf32, #tpu.memory_space<smem>>
    %get3A_84 = arith.constant 7 : index
    %get3A_85 = memref.load %arg6[%get3A_84] : memref<16xf32, #tpu.memory_space<smem>>
    %slice3A_86 = vector.extract_strided_slice %convert_element_type3A {offsets = [1, 0, 0], sizes = [1, 16, 1024], strides = [1, 1, 1]} : vector<4x16x1024xf32> to vector<1x16x1024xf32>
    %squeeze3A_87 = vector.shape_cast %slice3A_86 : vector<1x16x1024xf32> to vector<16x1024xf32>
    %mul3A_88 = vector.broadcast %get3A_85 : f32 to vector<16x1024xf32>
    %mul3A_89 = arith.mulf %mul3A_88, %squeeze3A_87 : vector<16x1024xf32>
    %add3A_90 = vector.broadcast %get3A_83 : f32 to vector<16x1024xf32>
    %add3A_91 = arith.addf %add3A_90, %mul3A_89 : vector<16x1024xf32>
    %get3A_92 = arith.constant 8 : index
    %get3A_93 = memref.load %arg7[%get3A_92] : memref<16xf32, #tpu.memory_space<smem>>
    %get3A_94 = arith.constant 8 : index
    %get3A_95 = memref.load %arg6[%get3A_94] : memref<16xf32, #tpu.memory_space<smem>>
    %slice3A_96 = vector.extract_strided_slice %convert_element_type3A {offsets = [2, 0, 0], sizes = [1, 16, 1024], strides = [1, 1, 1]} : vector<4x16x1024xf32> to vector<1x16x1024xf32>
    %squeeze3A_97 = vector.shape_cast %slice3A_96 : vector<1x16x1024xf32> to vector<16x1024xf32>
    %mul3A_98 = vector.broadcast %get3A_95 : f32 to vector<16x1024xf32>
    %mul3A_99 = arith.mulf %mul3A_98, %squeeze3A_97 : vector<16x1024xf32>
    %add3A_100 = vector.broadcast %get3A_93 : f32 to vector<16x1024xf32>
    %add3A_101 = arith.addf %add3A_100, %mul3A_99 : vector<16x1024xf32>
    %get3A_102 = arith.constant 9 : index
    %get3A_103 = memref.load %arg7[%get3A_102] : memref<16xf32, #tpu.memory_space<smem>>
    %get3A_104 = arith.constant 9 : index
    %get3A_105 = memref.load %arg6[%get3A_104] : memref<16xf32, #tpu.memory_space<smem>>
    %slice3A_106 = vector.extract_strided_slice %convert_element_type3A {offsets = [2, 0, 0], sizes = [1, 16, 1024], strides = [1, 1, 1]} : vector<4x16x1024xf32> to vector<1x16x1024xf32>
    %squeeze3A_107 = vector.shape_cast %slice3A_106 : vector<1x16x1024xf32> to vector<16x1024xf32>
    %mul3A_108 = vector.broadcast %get3A_105 : f32 to vector<16x1024xf32>
    %mul3A_109 = arith.mulf %mul3A_108, %squeeze3A_107 : vector<16x1024xf32>
    %add3A_110 = vector.broadcast %get3A_103 : f32 to vector<16x1024xf32>
    %add3A_111 = arith.addf %add3A_110, %mul3A_109 : vector<16x1024xf32>
    %get3A_112 = arith.constant 10 : index
    %get3A_113 = memref.load %arg7[%get3A_112] : memref<16xf32, #tpu.memory_space<smem>>
    %get3A_114 = arith.constant 10 : index
    %get3A_115 = memref.load %arg6[%get3A_114] : memref<16xf32, #tpu.memory_space<smem>>
    %slice3A_116 = vector.extract_strided_slice %convert_element_type3A {offsets = [2, 0, 0], sizes = [1, 16, 1024], strides = [1, 1, 1]} : vector<4x16x1024xf32> to vector<1x16x1024xf32>
    %squeeze3A_117 = vector.shape_cast %slice3A_116 : vector<1x16x1024xf32> to vector<16x1024xf32>
    %mul3A_118 = vector.broadcast %get3A_115 : f32 to vector<16x1024xf32>
    %mul3A_119 = arith.mulf %mul3A_118, %squeeze3A_117 : vector<16x1024xf32>
    %add3A_120 = vector.broadcast %get3A_113 : f32 to vector<16x1024xf32>
    %add3A_121 = arith.addf %add3A_120, %mul3A_119 : vector<16x1024xf32>
    %get3A_122 = arith.constant 11 : index
    %get3A_123 = memref.load %arg7[%get3A_122] : memref<16xf32, #tpu.memory_space<smem>>
    %get3A_124 = arith.constant 11 : index
    %get3A_125 = memref.load %arg6[%get3A_124] : memref<16xf32, #tpu.memory_space<smem>>
    %slice3A_126 = vector.extract_strided_slice %convert_element_type3A {offsets = [2, 0, 0], sizes = [1, 16, 1024], strides = [1, 1, 1]} : vector<4x16x1024xf32> to vector<1x16x1024xf32>
    %squeeze3A_127 = vector.shape_cast %slice3A_126 : vector<1x16x1024xf32> to vector<16x1024xf32>
    %mul3A_128 = vector.broadcast %get3A_125 : f32 to vector<16x1024xf32>
    %mul3A_129 = arith.mulf %mul3A_128, %squeeze3A_127 : vector<16x1024xf32>
    %add3A_130 = vector.broadcast %get3A_123 : f32 to vector<16x1024xf32>
    %add3A_131 = arith.addf %add3A_130, %mul3A_129 : vector<16x1024xf32>
    %get3A_132 = arith.constant 12 : index
    %get3A_133 = memref.load %arg7[%get3A_132] : memref<16xf32, #tpu.memory_space<smem>>
    %get3A_134 = arith.constant 12 : index
    %get3A_135 = memref.load %arg6[%get3A_134] : memref<16xf32, #tpu.memory_space<smem>>
    %slice3A_136 = vector.extract_strided_slice %convert_element_type3A {offsets = [3, 0, 0], sizes = [1, 16, 1024], strides = [1, 1, 1]} : vector<4x16x1024xf32> to vector<1x16x1024xf32>
    %squeeze3A_137 = vector.shape_cast %slice3A_136 : vector<1x16x1024xf32> to vector<16x1024xf32>
    %mul3A_138 = vector.broadcast %get3A_135 : f32 to vector<16x1024xf32>
    %mul3A_139 = arith.mulf %mul3A_138, %squeeze3A_137 : vector<16x1024xf32>
    %add3A_140 = vector.broadcast %get3A_133 : f32 to vector<16x1024xf32>
    %add3A_141 = arith.addf %add3A_140, %mul3A_139 : vector<16x1024xf32>
    %get3A_142 = arith.constant 13 : index
    %get3A_143 = memref.load %arg7[%get3A_142] : memref<16xf32, #tpu.memory_space<smem>>
    %get3A_144 = arith.constant 13 : index
    %get3A_145 = memref.load %arg6[%get3A_144] : memref<16xf32, #tpu.memory_space<smem>>
    %slice3A_146 = vector.extract_strided_slice %convert_element_type3A {offsets = [3, 0, 0], sizes = [1, 16, 1024], strides = [1, 1, 1]} : vector<4x16x1024xf32> to vector<1x16x1024xf32>
    %squeeze3A_147 = vector.shape_cast %slice3A_146 : vector<1x16x1024xf32> to vector<16x1024xf32>
    %mul3A_148 = vector.broadcast %get3A_145 : f32 to vector<16x1024xf32>
    %mul3A_149 = arith.mulf %mul3A_148, %squeeze3A_147 : vector<16x1024xf32>
    %add3A_150 = vector.broadcast %get3A_143 : f32 to vector<16x1024xf32>
    %add3A_151 = arith.addf %add3A_150, %mul3A_149 : vector<16x1024xf32>
    %get3A_152 = arith.constant 14 : index
    %get3A_153 = memref.load %arg7[%get3A_152] : memref<16xf32, #tpu.memory_space<smem>>
    %get3A_154 = arith.constant 14 : index
    %get3A_155 = memref.load %arg6[%get3A_154] : memref<16xf32, #tpu.memory_space<smem>>
    %slice3A_156 = vector.extract_strided_slice %convert_element_type3A {offsets = [3, 0, 0], sizes = [1, 16, 1024], strides = [1, 1, 1]} : vector<4x16x1024xf32> to vector<1x16x1024xf32>
    %squeeze3A_157 = vector.shape_cast %slice3A_156 : vector<1x16x1024xf32> to vector<16x1024xf32>
    %mul3A_158 = vector.broadcast %get3A_155 : f32 to vector<16x1024xf32>
    %mul3A_159 = arith.mulf %mul3A_158, %squeeze3A_157 : vector<16x1024xf32>
    %add3A_160 = vector.broadcast %get3A_153 : f32 to vector<16x1024xf32>
    %add3A_161 = arith.addf %add3A_160, %mul3A_159 : vector<16x1024xf32>
    %get3A_162 = arith.constant 15 : index
    %get3A_163 = memref.load %arg7[%get3A_162] : memref<16xf32, #tpu.memory_space<smem>>
    %get3A_164 = arith.constant 15 : index
    %get3A_165 = memref.load %arg6[%get3A_164] : memref<16xf32, #tpu.memory_space<smem>>
    %slice3A_166 = vector.extract_strided_slice %convert_element_type3A {offsets = [3, 0, 0], sizes = [1, 16, 1024], strides = [1, 1, 1]} : vector<4x16x1024xf32> to vector<1x16x1024xf32>
    %squeeze3A_167 = vector.shape_cast %slice3A_166 : vector<1x16x1024xf32> to vector<16x1024xf32>
    %mul3A_168 = vector.broadcast %get3A_165 : f32 to vector<16x1024xf32>
    %mul3A_169 = arith.mulf %mul3A_168, %squeeze3A_167 : vector<16x1024xf32>
    %add3A_170 = vector.broadcast %get3A_163 : f32 to vector<16x1024xf32>
    %add3A_171 = arith.addf %add3A_170, %mul3A_169 : vector<16x1024xf32>
    %get3A_172 = arith.constant 0 : index
    %get3A_173 = memref.load %arg9[%get3A_172] : memref<36xf32, #tpu.memory_space<smem>>
    %get3A_174 = arith.constant 0 : index
    %get3A_175 = memref.load %arg8[%get3A_174] : memref<36xf32, #tpu.memory_space<smem>>
    %slice3A_176 = vector.extract_strided_slice %convert_element_type3A_15 {offsets = [0, 0, 0], sizes = [1, 16, 1024], strides = [1, 1, 1]} : vector<9x16x1024xf32> to vector<1x16x1024xf32>
    %squeeze3A_177 = vector.shape_cast %slice3A_176 : vector<1x16x1024xf32> to vector<16x1024xf32>
    %mul3A_178 = vector.broadcast %get3A_175 : f32 to vector<16x1024xf32>
    %mul3A_179 = arith.mulf %mul3A_178, %squeeze3A_177 : vector<16x1024xf32>
    %add3A_180 = vector.broadcast %get3A_173 : f32 to vector<16x1024xf32>
    %add3A_181 = arith.addf %add3A_180, %mul3A_179 : vector<16x1024xf32>
    %get3A_182 = arith.constant 1 : index
    %get3A_183 = memref.load %arg9[%get3A_182] : memref<36xf32, #tpu.memory_space<smem>>
    %get3A_184 = arith.constant 1 : index
    %get3A_185 = memref.load %arg8[%get3A_184] : memref<36xf32, #tpu.memory_space<smem>>
    %slice3A_186 = vector.extract_strided_slice %convert_element_type3A_15 {offsets = [0, 0, 0], sizes = [1, 16, 1024], strides = [1, 1, 1]} : vector<9x16x1024xf32> to vector<1x16x1024xf32>
    %squeeze3A_187 = vector.shape_cast %slice3A_186 : vector<1x16x1024xf32> to vector<16x1024xf32>
    %mul3A_188 = vector.broadcast %get3A_185 : f32 to vector<16x1024xf32>
    %mul3A_189 = arith.mulf %mul3A_188, %squeeze3A_187 : vector<16x1024xf32>
    %add3A_190 = vector.broadcast %get3A_183 : f32 to vector<16x1024xf32>
    %add3A_191 = arith.addf %add3A_190, %mul3A_189 : vector<16x1024xf32>
    %get3A_192 = arith.constant 2 : index
    %get3A_193 = memref.load %arg9[%get3A_192] : memref<36xf32, #tpu.memory_space<smem>>
    %get3A_194 = arith.constant 2 : index
    %get3A_195 = memref.load %arg8[%get3A_194] : memref<36xf32, #tpu.memory_space<smem>>
    %slice3A_196 = vector.extract_strided_slice %convert_element_type3A_15 {offsets = [0, 0, 0], sizes = [1, 16, 1024], strides = [1, 1, 1]} : vector<9x16x1024xf32> to vector<1x16x1024xf32>
    %squeeze3A_197 = vector.shape_cast %slice3A_196 : vector<1x16x1024xf32> to vector<16x1024xf32>
    %mul3A_198 = vector.broadcast %get3A_195 : f32 to vector<16x1024xf32>
    %mul3A_199 = arith.mulf %mul3A_198, %squeeze3A_197 : vector<16x1024xf32>
    %add3A_200 = vector.broadcast %get3A_193 : f32 to vector<16x1024xf32>
    %add3A_201 = arith.addf %add3A_200, %mul3A_199 : vector<16x1024xf32>
    %get3A_202 = arith.constant 3 : index
    %get3A_203 = memref.load %arg9[%get3A_202] : memref<36xf32, #tpu.memory_space<smem>>
    %get3A_204 = arith.constant 3 : index
    %get3A_205 = memref.load %arg8[%get3A_204] : memref<36xf32, #tpu.memory_space<smem>>
    %slice3A_206 = vector.extract_strided_slice %convert_element_type3A_15 {offsets = [0, 0, 0], sizes = [1, 16, 1024], strides = [1, 1, 1]} : vector<9x16x1024xf32> to vector<1x16x1024xf32>
    %squeeze3A_207 = vector.shape_cast %slice3A_206 : vector<1x16x1024xf32> to vector<16x1024xf32>
    %mul3A_208 = vector.broadcast %get3A_205 : f32 to vector<16x1024xf32>
    %mul3A_209 = arith.mulf %mul3A_208, %squeeze3A_207 : vector<16x1024xf32>
    %add3A_210 = vector.broadcast %get3A_203 : f32 to vector<16x1024xf32>
    %add3A_211 = arith.addf %add3A_210, %mul3A_209 : vector<16x1024xf32>
    %get3A_212 = arith.constant 4 : index
    %get3A_213 = memref.load %arg9[%get3A_212] : memref<36xf32, #tpu.memory_space<smem>>
    %get3A_214 = arith.constant 4 : index
    %get3A_215 = memref.load %arg8[%get3A_214] : memref<36xf32, #tpu.memory_space<smem>>
    %slice3A_216 = vector.extract_strided_slice %convert_element_type3A_15 {offsets = [1, 0, 0], sizes = [1, 16, 1024], strides = [1, 1, 1]} : vector<9x16x1024xf32> to vector<1x16x1024xf32>
    %squeeze3A_217 = vector.shape_cast %slice3A_216 : vector<1x16x1024xf32> to vector<16x1024xf32>
    %mul3A_218 = vector.broadcast %get3A_215 : f32 to vector<16x1024xf32>
    %mul3A_219 = arith.mulf %mul3A_218, %squeeze3A_217 : vector<16x1024xf32>
    %add3A_220 = vector.broadcast %get3A_213 : f32 to vector<16x1024xf32>
    %add3A_221 = arith.addf %add3A_220, %mul3A_219 : vector<16x1024xf32>
    %get3A_222 = arith.constant 5 : index
    %get3A_223 = memref.load %arg9[%get3A_222] : memref<36xf32, #tpu.memory_space<smem>>
    %get3A_224 = arith.constant 5 : index
    %get3A_225 = memref.load %arg8[%get3A_224] : memref<36xf32, #tpu.memory_space<smem>>
    %slice3A_226 = vector.extract_strided_slice %convert_element_type3A_15 {offsets = [1, 0, 0], sizes = [1, 16, 1024], strides = [1, 1, 1]} : vector<9x16x1024xf32> to vector<1x16x1024xf32>
    %squeeze3A_227 = vector.shape_cast %slice3A_226 : vector<1x16x1024xf32> to vector<16x1024xf32>
    %mul3A_228 = vector.broadcast %get3A_225 : f32 to vector<16x1024xf32>
    %mul3A_229 = arith.mulf %mul3A_228, %squeeze3A_227 : vector<16x1024xf32>
    %add3A_230 = vector.broadcast %get3A_223 : f32 to vector<16x1024xf32>
    %add3A_231 = arith.addf %add3A_230, %mul3A_229 : vector<16x1024xf32>
    %get3A_232 = arith.constant 6 : index
    %get3A_233 = memref.load %arg9[%get3A_232] : memref<36xf32, #tpu.memory_space<smem>>
    %get3A_234 = arith.constant 6 : index
    %get3A_235 = memref.load %arg8[%get3A_234] : memref<36xf32, #tpu.memory_space<smem>>
    %slice3A_236 = vector.extract_strided_slice %convert_element_type3A_15 {offsets = [1, 0, 0], sizes = [1, 16, 1024], strides = [1, 1, 1]} : vector<9x16x1024xf32> to vector<1x16x1024xf32>
    %squeeze3A_237 = vector.shape_cast %slice3A_236 : vector<1x16x1024xf32> to vector<16x1024xf32>
    %mul3A_238 = vector.broadcast %get3A_235 : f32 to vector<16x1024xf32>
    %mul3A_239 = arith.mulf %mul3A_238, %squeeze3A_237 : vector<16x1024xf32>
    %add3A_240 = vector.broadcast %get3A_233 : f32 to vector<16x1024xf32>
    %add3A_241 = arith.addf %add3A_240, %mul3A_239 : vector<16x1024xf32>
    %get3A_242 = arith.constant 7 : index
    %get3A_243 = memref.load %arg9[%get3A_242] : memref<36xf32, #tpu.memory_space<smem>>
    %get3A_244 = arith.constant 7 : index
    %get3A_245 = memref.load %arg8[%get3A_244] : memref<36xf32, #tpu.memory_space<smem>>
    %slice3A_246 = vector.extract_strided_slice %convert_element_type3A_15 {offsets = [1, 0, 0], sizes = [1, 16, 1024], strides = [1, 1, 1]} : vector<9x16x1024xf32> to vector<1x16x1024xf32>
    %squeeze3A_247 = vector.shape_cast %slice3A_246 : vector<1x16x1024xf32> to vector<16x1024xf32>
    %mul3A_248 = vector.broadcast %get3A_245 : f32 to vector<16x1024xf32>
    %mul3A_249 = arith.mulf %mul3A_248, %squeeze3A_247 : vector<16x1024xf32>
    %add3A_250 = vector.broadcast %get3A_243 : f32 to vector<16x1024xf32>
    %add3A_251 = arith.addf %add3A_250, %mul3A_249 : vector<16x1024xf32>
    %get3A_252 = arith.constant 8 : index
    %get3A_253 = memref.load %arg9[%get3A_252] : memref<36xf32, #tpu.memory_space<smem>>
    %get3A_254 = arith.constant 8 : index
    %get3A_255 = memref.load %arg8[%get3A_254] : memref<36xf32, #tpu.memory_space<smem>>
    %slice3A_256 = vector.extract_strided_slice %convert_element_type3A_15 {offsets = [2, 0, 0], sizes = [1, 16, 1024], strides = [1, 1, 1]} : vector<9x16x1024xf32> to vector<1x16x1024xf32>
    %squeeze3A_257 = vector.shape_cast %slice3A_256 : vector<1x16x1024xf32> to vector<16x1024xf32>
    %mul3A_258 = vector.broadcast %get3A_255 : f32 to vector<16x1024xf32>
    %mul3A_259 = arith.mulf %mul3A_258, %squeeze3A_257 : vector<16x1024xf32>
    %add3A_260 = vector.broadcast %get3A_253 : f32 to vector<16x1024xf32>
    %add3A_261 = arith.addf %add3A_260, %mul3A_259 : vector<16x1024xf32>
    %get3A_262 = arith.constant 9 : index
    %get3A_263 = memref.load %arg9[%get3A_262] : memref<36xf32, #tpu.memory_space<smem>>
    %get3A_264 = arith.constant 9 : index
    %get3A_265 = memref.load %arg8[%get3A_264] : memref<36xf32, #tpu.memory_space<smem>>
    %slice3A_266 = vector.extract_strided_slice %convert_element_type3A_15 {offsets = [2, 0, 0], sizes = [1, 16, 1024], strides = [1, 1, 1]} : vector<9x16x1024xf32> to vector<1x16x1024xf32>
    %squeeze3A_267 = vector.shape_cast %slice3A_266 : vector<1x16x1024xf32> to vector<16x1024xf32>
    %mul3A_268 = vector.broadcast %get3A_265 : f32 to vector<16x1024xf32>
    %mul3A_269 = arith.mulf %mul3A_268, %squeeze3A_267 : vector<16x1024xf32>
    %add3A_270 = vector.broadcast %get3A_263 : f32 to vector<16x1024xf32>
    %add3A_271 = arith.addf %add3A_270, %mul3A_269 : vector<16x1024xf32>
    %get3A_272 = arith.constant 10 : index
    %get3A_273 = memref.load %arg9[%get3A_272] : memref<36xf32, #tpu.memory_space<smem>>
    %get3A_274 = arith.constant 10 : index
    %get3A_275 = memref.load %arg8[%get3A_274] : memref<36xf32, #tpu.memory_space<smem>>
    %slice3A_276 = vector.extract_strided_slice %convert_element_type3A_15 {offsets = [2, 0, 0], sizes = [1, 16, 1024], strides = [1, 1, 1]} : vector<9x16x1024xf32> to vector<1x16x1024xf32>
    %squeeze3A_277 = vector.shape_cast %slice3A_276 : vector<1x16x1024xf32> to vector<16x1024xf32>
    %mul3A_278 = vector.broadcast %get3A_275 : f32 to vector<16x1024xf32>
    %mul3A_279 = arith.mulf %mul3A_278, %squeeze3A_277 : vector<16x1024xf32>
    %add3A_280 = vector.broadcast %get3A_273 : f32 to vector<16x1024xf32>
    %add3A_281 = arith.addf %add3A_280, %mul3A_279 : vector<16x1024xf32>
    %get3A_282 = arith.constant 11 : index
    %get3A_283 = memref.load %arg9[%get3A_282] : memref<36xf32, #tpu.memory_space<smem>>
    %get3A_284 = arith.constant 11 : index
    %get3A_285 = memref.load %arg8[%get3A_284] : memref<36xf32, #tpu.memory_space<smem>>
    %slice3A_286 = vector.extract_strided_slice %convert_element_type3A_15 {offsets = [2, 0, 0], sizes = [1, 16, 1024], strides = [1, 1, 1]} : vector<9x16x1024xf32> to vector<1x16x1024xf32>
    %squeeze3A_287 = vector.shape_cast %slice3A_286 : vector<1x16x1024xf32> to vector<16x1024xf32>
    %mul3A_288 = vector.broadcast %get3A_285 : f32 to vector<16x1024xf32>
    %mul3A_289 = arith.mulf %mul3A_288, %squeeze3A_287 : vector<16x1024xf32>
    %add3A_290 = vector.broadcast %get3A_283 : f32 to vector<16x1024xf32>
    %add3A_291 = arith.addf %add3A_290, %mul3A_289 : vector<16x1024xf32>
    %get3A_292 = arith.constant 12 : index
    %get3A_293 = memref.load %arg9[%get3A_292] : memref<36xf32, #tpu.memory_space<smem>>
    %get3A_294 = arith.constant 12 : index
    %get3A_295 = memref.load %arg8[%get3A_294] : memref<36xf32, #tpu.memory_space<smem>>
    %slice3A_296 = vector.extract_strided_slice %convert_element_type3A_15 {offsets = [3, 0, 0], sizes = [1, 16, 1024], strides = [1, 1, 1]} : vector<9x16x1024xf32> to vector<1x16x1024xf32>
    %squeeze3A_297 = vector.shape_cast %slice3A_296 : vector<1x16x1024xf32> to vector<16x1024xf32>
    %mul3A_298 = vector.broadcast %get3A_295 : f32 to vector<16x1024xf32>
    %mul3A_299 = arith.mulf %mul3A_298, %squeeze3A_297 : vector<16x1024xf32>
    %add3A_300 = vector.broadcast %get3A_293 : f32 to vector<16x1024xf32>
    %add3A_301 = arith.addf %add3A_300, %mul3A_299 : vector<16x1024xf32>
    %get3A_302 = arith.constant 13 : index
    %get3A_303 = memref.load %arg9[%get3A_302] : memref<36xf32, #tpu.memory_space<smem>>
    %get3A_304 = arith.constant 13 : index
    %get3A_305 = memref.load %arg8[%get3A_304] : memref<36xf32, #tpu.memory_space<smem>>
    %slice3A_306 = vector.extract_strided_slice %convert_element_type3A_15 {offsets = [3, 0, 0], sizes = [1, 16, 1024], strides = [1, 1, 1]} : vector<9x16x1024xf32> to vector<1x16x1024xf32>
    %squeeze3A_307 = vector.shape_cast %slice3A_306 : vector<1x16x1024xf32> to vector<16x1024xf32>
    %mul3A_308 = vector.broadcast %get3A_305 : f32 to vector<16x1024xf32>
    %mul3A_309 = arith.mulf %mul3A_308, %squeeze3A_307 : vector<16x1024xf32>
    %add3A_310 = vector.broadcast %get3A_303 : f32 to vector<16x1024xf32>
    %add3A_311 = arith.addf %add3A_310, %mul3A_309 : vector<16x1024xf32>
    %get3A_312 = arith.constant 14 : index
    %get3A_313 = memref.load %arg9[%get3A_312] : memref<36xf32, #tpu.memory_space<smem>>
    %get3A_314 = arith.constant 14 : index
    %get3A_315 = memref.load %arg8[%get3A_314] : memref<36xf32, #tpu.memory_space<smem>>
    %slice3A_316 = vector.extract_strided_slice %convert_element_type3A_15 {offsets = [3, 0, 0], sizes = [1, 16, 1024], strides = [1, 1, 1]} : vector<9x16x1024xf32> to vector<1x16x1024xf32>
    %squeeze3A_317 = vector.shape_cast %slice3A_316 : vector<1x16x1024xf32> to vector<16x1024xf32>
    %mul3A_318 = vector.broadcast %get3A_315 : f32 to vector<16x1024xf32>
    %mul3A_319 = arith.mulf %mul3A_318, %squeeze3A_317 : vector<16x1024xf32>
    %add3A_320 = vector.broadcast %get3A_313 : f32 to vector<16x1024xf32>
    %add3A_321 = arith.addf %add3A_320, %mul3A_319 : vector<16x1024xf32>
    %get3A_322 = arith.constant 15 : index
    %get3A_323 = memref.load %arg9[%get3A_322] : memref<36xf32, #tpu.memory_space<smem>>
    %get3A_324 = arith.constant 15 : index
    %get3A_325 = memref.load %arg8[%get3A_324] : memref<36xf32, #tpu.memory_space<smem>>
    %slice3A_326 = vector.extract_strided_slice %convert_element_type3A_15 {offsets = [3, 0, 0], sizes = [1, 16, 1024], strides = [1, 1, 1]} : vector<9x16x1024xf32> to vector<1x16x1024xf32>
    %squeeze3A_327 = vector.shape_cast %slice3A_326 : vector<1x16x1024xf32> to vector<16x1024xf32>
    %mul3A_328 = vector.broadcast %get3A_325 : f32 to vector<16x1024xf32>
    %mul3A_329 = arith.mulf %mul3A_328, %squeeze3A_327 : vector<16x1024xf32>
    %add3A_330 = vector.broadcast %get3A_323 : f32 to vector<16x1024xf32>
    %add3A_331 = arith.addf %add3A_330, %mul3A_329 : vector<16x1024xf32>
    %get3A_332 = arith.constant 16 : index
    %get3A_333 = memref.load %arg9[%get3A_332] : memref<36xf32, #tpu.memory_space<smem>>
    %get3A_334 = arith.constant 16 : index
    %get3A_335 = memref.load %arg8[%get3A_334] : memref<36xf32, #tpu.memory_space<smem>>
    %slice3A_336 = vector.extract_strided_slice %convert_element_type3A_15 {offsets = [4, 0, 0], sizes = [1, 16, 1024], strides = [1, 1, 1]} : vector<9x16x1024xf32> to vector<1x16x1024xf32>
    %squeeze3A_337 = vector.shape_cast %slice3A_336 : vector<1x16x1024xf32> to vector<16x1024xf32>
    %mul3A_338 = vector.broadcast %get3A_335 : f32 to vector<16x1024xf32>
    %mul3A_339 = arith.mulf %mul3A_338, %squeeze3A_337 : vector<16x1024xf32>
    %add3A_340 = vector.broadcast %get3A_333 : f32 to vector<16x1024xf32>
    %add3A_341 = arith.addf %add3A_340, %mul3A_339 : vector<16x1024xf32>
    %get3A_342 = arith.constant 17 : index
    %get3A_343 = memref.load %arg9[%get3A_342] : memref<36xf32, #tpu.memory_space<smem>>
    %get3A_344 = arith.constant 17 : index
    %get3A_345 = memref.load %arg8[%get3A_344] : memref<36xf32, #tpu.memory_space<smem>>
    %slice3A_346 = vector.extract_strided_slice %convert_element_type3A_15 {offsets = [4, 0, 0], sizes = [1, 16, 1024], strides = [1, 1, 1]} : vector<9x16x1024xf32> to vector<1x16x1024xf32>
    %squeeze3A_347 = vector.shape_cast %slice3A_346 : vector<1x16x1024xf32> to vector<16x1024xf32>
    %mul3A_348 = vector.broadcast %get3A_345 : f32 to vector<16x1024xf32>
    %mul3A_349 = arith.mulf %mul3A_348, %squeeze3A_347 : vector<16x1024xf32>
    %add3A_350 = vector.broadcast %get3A_343 : f32 to vector<16x1024xf32>
    %add3A_351 = arith.addf %add3A_350, %mul3A_349 : vector<16x1024xf32>
    %get3A_352 = arith.constant 18 : index
    %get3A_353 = memref.load %arg9[%get3A_352] : memref<36xf32, #tpu.memory_space<smem>>
    %get3A_354 = arith.constant 18 : index
    %get3A_355 = memref.load %arg8[%get3A_354] : memref<36xf32, #tpu.memory_space<smem>>
    %slice3A_356 = vector.extract_strided_slice %convert_element_type3A_15 {offsets = [4, 0, 0], sizes = [1, 16, 1024], strides = [1, 1, 1]} : vector<9x16x1024xf32> to vector<1x16x1024xf32>
    %squeeze3A_357 = vector.shape_cast %slice3A_356 : vector<1x16x1024xf32> to vector<16x1024xf32>
    %mul3A_358 = vector.broadcast %get3A_355 : f32 to vector<16x1024xf32>
    %mul3A_359 = arith.mulf %mul3A_358, %squeeze3A_357 : vector<16x1024xf32>
    %add3A_360 = vector.broadcast %get3A_353 : f32 to vector<16x1024xf32>
    %add3A_361 = arith.addf %add3A_360, %mul3A_359 : vector<16x1024xf32>
    %get3A_362 = arith.constant 19 : index
    %get3A_363 = memref.load %arg9[%get3A_362] : memref<36xf32, #tpu.memory_space<smem>>
    %get3A_364 = arith.constant 19 : index
    %get3A_365 = memref.load %arg8[%get3A_364] : memref<36xf32, #tpu.memory_space<smem>>
    %slice3A_366 = vector.extract_strided_slice %convert_element_type3A_15 {offsets = [4, 0, 0], sizes = [1, 16, 1024], strides = [1, 1, 1]} : vector<9x16x1024xf32> to vector<1x16x1024xf32>
    %squeeze3A_367 = vector.shape_cast %slice3A_366 : vector<1x16x1024xf32> to vector<16x1024xf32>
    %mul3A_368 = vector.broadcast %get3A_365 : f32 to vector<16x1024xf32>
    %mul3A_369 = arith.mulf %mul3A_368, %squeeze3A_367 : vector<16x1024xf32>
    %add3A_370 = vector.broadcast %get3A_363 : f32 to vector<16x1024xf32>
    %add3A_371 = arith.addf %add3A_370, %mul3A_369 : vector<16x1024xf32>
    %get3A_372 = arith.constant 20 : index
    %get3A_373 = memref.load %arg9[%get3A_372] : memref<36xf32, #tpu.memory_space<smem>>
    %get3A_374 = arith.constant 20 : index
    %get3A_375 = memref.load %arg8[%get3A_374] : memref<36xf32, #tpu.memory_space<smem>>
    %slice3A_376 = vector.extract_strided_slice %convert_element_type3A_15 {offsets = [5, 0, 0], sizes = [1, 16, 1024], strides = [1, 1, 1]} : vector<9x16x1024xf32> to vector<1x16x1024xf32>
    %squeeze3A_377 = vector.shape_cast %slice3A_376 : vector<1x16x1024xf32> to vector<16x1024xf32>
    %mul3A_378 = vector.broadcast %get3A_375 : f32 to vector<16x1024xf32>
    %mul3A_379 = arith.mulf %mul3A_378, %squeeze3A_377 : vector<16x1024xf32>
    %add3A_380 = vector.broadcast %get3A_373 : f32 to vector<16x1024xf32>
    %add3A_381 = arith.addf %add3A_380, %mul3A_379 : vector<16x1024xf32>
    %get3A_382 = arith.constant 21 : index
    %get3A_383 = memref.load %arg9[%get3A_382] : memref<36xf32, #tpu.memory_space<smem>>
    %get3A_384 = arith.constant 21 : index
    %get3A_385 = memref.load %arg8[%get3A_384] : memref<36xf32, #tpu.memory_space<smem>>
    %slice3A_386 = vector.extract_strided_slice %convert_element_type3A_15 {offsets = [5, 0, 0], sizes = [1, 16, 1024], strides = [1, 1, 1]} : vector<9x16x1024xf32> to vector<1x16x1024xf32>
    %squeeze3A_387 = vector.shape_cast %slice3A_386 : vector<1x16x1024xf32> to vector<16x1024xf32>
    %mul3A_388 = vector.broadcast %get3A_385 : f32 to vector<16x1024xf32>
    %mul3A_389 = arith.mulf %mul3A_388, %squeeze3A_387 : vector<16x1024xf32>
    %add3A_390 = vector.broadcast %get3A_383 : f32 to vector<16x1024xf32>
    %add3A_391 = arith.addf %add3A_390, %mul3A_389 : vector<16x1024xf32>
    %get3A_392 = arith.constant 22 : index
    %get3A_393 = memref.load %arg9[%get3A_392] : memref<36xf32, #tpu.memory_space<smem>>
    %get3A_394 = arith.constant 22 : index
    %get3A_395 = memref.load %arg8[%get3A_394] : memref<36xf32, #tpu.memory_space<smem>>
    %slice3A_396 = vector.extract_strided_slice %convert_element_type3A_15 {offsets = [5, 0, 0], sizes = [1, 16, 1024], strides = [1, 1, 1]} : vector<9x16x1024xf32> to vector<1x16x1024xf32>
    %squeeze3A_397 = vector.shape_cast %slice3A_396 : vector<1x16x1024xf32> to vector<16x1024xf32>
    %mul3A_398 = vector.broadcast %get3A_395 : f32 to vector<16x1024xf32>
    %mul3A_399 = arith.mulf %mul3A_398, %squeeze3A_397 : vector<16x1024xf32>
    %add3A_400 = vector.broadcast %get3A_393 : f32 to vector<16x1024xf32>
    %add3A_401 = arith.addf %add3A_400, %mul3A_399 : vector<16x1024xf32>
    %get3A_402 = arith.constant 23 : index
    %get3A_403 = memref.load %arg9[%get3A_402] : memref<36xf32, #tpu.memory_space<smem>>
    %get3A_404 = arith.constant 23 : index
    %get3A_405 = memref.load %arg8[%get3A_404] : memref<36xf32, #tpu.memory_space<smem>>
    %slice3A_406 = vector.extract_strided_slice %convert_element_type3A_15 {offsets = [5, 0, 0], sizes = [1, 16, 1024], strides = [1, 1, 1]} : vector<9x16x1024xf32> to vector<1x16x1024xf32>
    %squeeze3A_407 = vector.shape_cast %slice3A_406 : vector<1x16x1024xf32> to vector<16x1024xf32>
    %mul3A_408 = vector.broadcast %get3A_405 : f32 to vector<16x1024xf32>
    %mul3A_409 = arith.mulf %mul3A_408, %squeeze3A_407 : vector<16x1024xf32>
    %add3A_410 = vector.broadcast %get3A_403 : f32 to vector<16x1024xf32>
    %add3A_411 = arith.addf %add3A_410, %mul3A_409 : vector<16x1024xf32>
    %get3A_412 = arith.constant 24 : index
    %get3A_413 = memref.load %arg9[%get3A_412] : memref<36xf32, #tpu.memory_space<smem>>
    %get3A_414 = arith.constant 24 : index
    %get3A_415 = memref.load %arg8[%get3A_414] : memref<36xf32, #tpu.memory_space<smem>>
    %slice3A_416 = vector.extract_strided_slice %convert_element_type3A_15 {offsets = [6, 0, 0], sizes = [1, 16, 1024], strides = [1, 1, 1]} : vector<9x16x1024xf32> to vector<1x16x1024xf32>
    %squeeze3A_417 = vector.shape_cast %slice3A_416 : vector<1x16x1024xf32> to vector<16x1024xf32>
    %mul3A_418 = vector.broadcast %get3A_415 : f32 to vector<16x1024xf32>
    %mul3A_419 = arith.mulf %mul3A_418, %squeeze3A_417 : vector<16x1024xf32>
    %add3A_420 = vector.broadcast %get3A_413 : f32 to vector<16x1024xf32>
    %add3A_421 = arith.addf %add3A_420, %mul3A_419 : vector<16x1024xf32>
    %get3A_422 = arith.constant 25 : index
    %get3A_423 = memref.load %arg9[%get3A_422] : memref<36xf32, #tpu.memory_space<smem>>
    %get3A_424 = arith.constant 25 : index
    %get3A_425 = memref.load %arg8[%get3A_424] : memref<36xf32, #tpu.memory_space<smem>>
    %slice3A_426 = vector.extract_strided_slice %convert_element_type3A_15 {offsets = [6, 0, 0], sizes = [1, 16, 1024], strides = [1, 1, 1]} : vector<9x16x1024xf32> to vector<1x16x1024xf32>
    %squeeze3A_427 = vector.shape_cast %slice3A_426 : vector<1x16x1024xf32> to vector<16x1024xf32>
    %mul3A_428 = vector.broadcast %get3A_425 : f32 to vector<16x1024xf32>
    %mul3A_429 = arith.mulf %mul3A_428, %squeeze3A_427 : vector<16x1024xf32>
    %add3A_430 = vector.broadcast %get3A_423 : f32 to vector<16x1024xf32>
    %add3A_431 = arith.addf %add3A_430, %mul3A_429 : vector<16x1024xf32>
    %get3A_432 = arith.constant 26 : index
    %get3A_433 = memref.load %arg9[%get3A_432] : memref<36xf32, #tpu.memory_space<smem>>
    %get3A_434 = arith.constant 26 : index
    %get3A_435 = memref.load %arg8[%get3A_434] : memref<36xf32, #tpu.memory_space<smem>>
    %slice3A_436 = vector.extract_strided_slice %convert_element_type3A_15 {offsets = [6, 0, 0], sizes = [1, 16, 1024], strides = [1, 1, 1]} : vector<9x16x1024xf32> to vector<1x16x1024xf32>
    %squeeze3A_437 = vector.shape_cast %slice3A_436 : vector<1x16x1024xf32> to vector<16x1024xf32>
    %mul3A_438 = vector.broadcast %get3A_435 : f32 to vector<16x1024xf32>
    %mul3A_439 = arith.mulf %mul3A_438, %squeeze3A_437 : vector<16x1024xf32>
    %add3A_440 = vector.broadcast %get3A_433 : f32 to vector<16x1024xf32>
    %add3A_441 = arith.addf %add3A_440, %mul3A_439 : vector<16x1024xf32>
    %get3A_442 = arith.constant 27 : index
    %get3A_443 = memref.load %arg9[%get3A_442] : memref<36xf32, #tpu.memory_space<smem>>
    %get3A_444 = arith.constant 27 : index
    %get3A_445 = memref.load %arg8[%get3A_444] : memref<36xf32, #tpu.memory_space<smem>>
    %slice3A_446 = vector.extract_strided_slice %convert_element_type3A_15 {offsets = [6, 0, 0], sizes = [1, 16, 1024], strides = [1, 1, 1]} : vector<9x16x1024xf32> to vector<1x16x1024xf32>
    %squeeze3A_447 = vector.shape_cast %slice3A_446 : vector<1x16x1024xf32> to vector<16x1024xf32>
    %mul3A_448 = vector.broadcast %get3A_445 : f32 to vector<16x1024xf32>
    %mul3A_449 = arith.mulf %mul3A_448, %squeeze3A_447 : vector<16x1024xf32>
    %add3A_450 = vector.broadcast %get3A_443 : f32 to vector<16x1024xf32>
    %add3A_451 = arith.addf %add3A_450, %mul3A_449 : vector<16x1024xf32>
    %get3A_452 = arith.constant 28 : index
    %get3A_453 = memref.load %arg9[%get3A_452] : memref<36xf32, #tpu.memory_space<smem>>
    %get3A_454 = arith.constant 28 : index
    %get3A_455 = memref.load %arg8[%get3A_454] : memref<36xf32, #tpu.memory_space<smem>>
    %slice3A_456 = vector.extract_strided_slice %convert_element_type3A_15 {offsets = [7, 0, 0], sizes = [1, 16, 1024], strides = [1, 1, 1]} : vector<9x16x1024xf32> to vector<1x16x1024xf32>
    %squeeze3A_457 = vector.shape_cast %slice3A_456 : vector<1x16x1024xf32> to vector<16x1024xf32>
    %mul3A_458 = vector.broadcast %get3A_455 : f32 to vector<16x1024xf32>
    %mul3A_459 = arith.mulf %mul3A_458, %squeeze3A_457 : vector<16x1024xf32>
    %add3A_460 = vector.broadcast %get3A_453 : f32 to vector<16x1024xf32>
    %add3A_461 = arith.addf %add3A_460, %mul3A_459 : vector<16x1024xf32>
    %get3A_462 = arith.constant 29 : index
    %get3A_463 = memref.load %arg9[%get3A_462] : memref<36xf32, #tpu.memory_space<smem>>
    %get3A_464 = arith.constant 29 : index
    %get3A_465 = memref.load %arg8[%get3A_464] : memref<36xf32, #tpu.memory_space<smem>>
    %slice3A_466 = vector.extract_strided_slice %convert_element_type3A_15 {offsets = [7, 0, 0], sizes = [1, 16, 1024], strides = [1, 1, 1]} : vector<9x16x1024xf32> to vector<1x16x1024xf32>
    %squeeze3A_467 = vector.shape_cast %slice3A_466 : vector<1x16x1024xf32> to vector<16x1024xf32>
    %mul3A_468 = vector.broadcast %get3A_465 : f32 to vector<16x1024xf32>
    %mul3A_469 = arith.mulf %mul3A_468, %squeeze3A_467 : vector<16x1024xf32>
    %add3A_470 = vector.broadcast %get3A_463 : f32 to vector<16x1024xf32>
    %add3A_471 = arith.addf %add3A_470, %mul3A_469 : vector<16x1024xf32>
    %get3A_472 = arith.constant 30 : index
    %get3A_473 = memref.load %arg9[%get3A_472] : memref<36xf32, #tpu.memory_space<smem>>
    %get3A_474 = arith.constant 30 : index
    %get3A_475 = memref.load %arg8[%get3A_474] : memref<36xf32, #tpu.memory_space<smem>>
    %slice3A_476 = vector.extract_strided_slice %convert_element_type3A_15 {offsets = [7, 0, 0], sizes = [1, 16, 1024], strides = [1, 1, 1]} : vector<9x16x1024xf32> to vector<1x16x1024xf32>
    %squeeze3A_477 = vector.shape_cast %slice3A_476 : vector<1x16x1024xf32> to vector<16x1024xf32>
    %mul3A_478 = vector.broadcast %get3A_475 : f32 to vector<16x1024xf32>
    %mul3A_479 = arith.mulf %mul3A_478, %squeeze3A_477 : vector<16x1024xf32>
    %add3A_480 = vector.broadcast %get3A_473 : f32 to vector<16x1024xf32>
    %add3A_481 = arith.addf %add3A_480, %mul3A_479 : vector<16x1024xf32>
    %get3A_482 = arith.constant 31 : index
    %get3A_483 = memref.load %arg9[%get3A_482] : memref<36xf32, #tpu.memory_space<smem>>
    %get3A_484 = arith.constant 31 : index
    %get3A_485 = memref.load %arg8[%get3A_484] : memref<36xf32, #tpu.memory_space<smem>>
    %slice3A_486 = vector.extract_strided_slice %convert_element_type3A_15 {offsets = [7, 0, 0], sizes = [1, 16, 1024], strides = [1, 1, 1]} : vector<9x16x1024xf32> to vector<1x16x1024xf32>
    %squeeze3A_487 = vector.shape_cast %slice3A_486 : vector<1x16x1024xf32> to vector<16x1024xf32>
    %mul3A_488 = vector.broadcast %get3A_485 : f32 to vector<16x1024xf32>
    %mul3A_489 = arith.mulf %mul3A_488, %squeeze3A_487 : vector<16x1024xf32>
    %add3A_490 = vector.broadcast %get3A_483 : f32 to vector<16x1024xf32>
    %add3A_491 = arith.addf %add3A_490, %mul3A_489 : vector<16x1024xf32>
    %get3A_492 = arith.constant 32 : index
    %get3A_493 = memref.load %arg9[%get3A_492] : memref<36xf32, #tpu.memory_space<smem>>
    %get3A_494 = arith.constant 32 : index
    %get3A_495 = memref.load %arg8[%get3A_494] : memref<36xf32, #tpu.memory_space<smem>>
    %slice3A_496 = vector.extract_strided_slice %convert_element_type3A_15 {offsets = [8, 0, 0], sizes = [1, 16, 1024], strides = [1, 1, 1]} : vector<9x16x1024xf32> to vector<1x16x1024xf32>
    %squeeze3A_497 = vector.shape_cast %slice3A_496 : vector<1x16x1024xf32> to vector<16x1024xf32>
    %mul3A_498 = vector.broadcast %get3A_495 : f32 to vector<16x1024xf32>
    %mul3A_499 = arith.mulf %mul3A_498, %squeeze3A_497 : vector<16x1024xf32>
    %add3A_500 = vector.broadcast %get3A_493 : f32 to vector<16x1024xf32>
    %add3A_501 = arith.addf %add3A_500, %mul3A_499 : vector<16x1024xf32>
    %get3A_502 = arith.constant 33 : index
    %get3A_503 = memref.load %arg9[%get3A_502] : memref<36xf32, #tpu.memory_space<smem>>
    %get3A_504 = arith.constant 33 : index
    %get3A_505 = memref.load %arg8[%get3A_504] : memref<36xf32, #tpu.memory_space<smem>>
    %slice3A_506 = vector.extract_strided_slice %convert_element_type3A_15 {offsets = [8, 0, 0], sizes = [1, 16, 1024], strides = [1, 1, 1]} : vector<9x16x1024xf32> to vector<1x16x1024xf32>
    %squeeze3A_507 = vector.shape_cast %slice3A_506 : vector<1x16x1024xf32> to vector<16x1024xf32>
    %mul3A_508 = vector.broadcast %get3A_505 : f32 to vector<16x1024xf32>
    %mul3A_509 = arith.mulf %mul3A_508, %squeeze3A_507 : vector<16x1024xf32>
    %add3A_510 = vector.broadcast %get3A_503 : f32 to vector<16x1024xf32>
    %add3A_511 = arith.addf %add3A_510, %mul3A_509 : vector<16x1024xf32>
    %get3A_512 = arith.constant 34 : index
    %get3A_513 = memref.load %arg9[%get3A_512] : memref<36xf32, #tpu.memory_space<smem>>
    %get3A_514 = arith.constant 34 : index
    %get3A_515 = memref.load %arg8[%get3A_514] : memref<36xf32, #tpu.memory_space<smem>>
    %slice3A_516 = vector.extract_strided_slice %convert_element_type3A_15 {offsets = [8, 0, 0], sizes = [1, 16, 1024], strides = [1, 1, 1]} : vector<9x16x1024xf32> to vector<1x16x1024xf32>
    %squeeze3A_517 = vector.shape_cast %slice3A_516 : vector<1x16x1024xf32> to vector<16x1024xf32>
    %mul3A_518 = vector.broadcast %get3A_515 : f32 to vector<16x1024xf32>
    %mul3A_519 = arith.mulf %mul3A_518, %squeeze3A_517 : vector<16x1024xf32>
    %add3A_520 = vector.broadcast %get3A_513 : f32 to vector<16x1024xf32>
    %add3A_521 = arith.addf %add3A_520, %mul3A_519 : vector<16x1024xf32>
    %get3A_522 = arith.constant 35 : index
    %get3A_523 = memref.load %arg9[%get3A_522] : memref<36xf32, #tpu.memory_space<smem>>
    %get3A_524 = arith.constant 35 : index
    %get3A_525 = memref.load %arg8[%get3A_524] : memref<36xf32, #tpu.memory_space<smem>>
    %slice3A_526 = vector.extract_strided_slice %convert_element_type3A_15 {offsets = [8, 0, 0], sizes = [1, 16, 1024], strides = [1, 1, 1]} : vector<9x16x1024xf32> to vector<1x16x1024xf32>
    %squeeze3A_527 = vector.shape_cast %slice3A_526 : vector<1x16x1024xf32> to vector<16x1024xf32>
    %mul3A_528 = vector.broadcast %get3A_525 : f32 to vector<16x1024xf32>
    %mul3A_529 = arith.mulf %mul3A_528, %squeeze3A_527 : vector<16x1024xf32>
    %add3A_530 = vector.broadcast %get3A_523 : f32 to vector<16x1024xf32>
    %add3A_531 = arith.addf %add3A_530, %mul3A_529 : vector<16x1024xf32>
    %get3A_532 = arith.constant 0 : index
    %get3A_533 = arith.constant 0 : index
    %get3A_534 = arith.constant 0 : index
    %get3A_535 = vector.load %arg2[%get3A_532, %get3A_533, %get3A_534] : memref<48x16x1024xf32, #tpu.memory_space<vmem>>, vector<48x16x1024xf32>
    %stack3A = vector.shape_cast %add3A_21 : vector<16x1024xf32> to vector<1x16x1024xf32>
    %stack3A_536 = vector.shape_cast %add3A_31 : vector<16x1024xf32> to vector<1x16x1024xf32>
    %stack3A_537 = vector.shape_cast %add3A_41 : vector<16x1024xf32> to vector<1x16x1024xf32>
    %stack3A_538 = vector.shape_cast %add3A_51 : vector<16x1024xf32> to vector<1x16x1024xf32>
    %stack3A_539 = vector.shape_cast %add3A_61 : vector<16x1024xf32> to vector<1x16x1024xf32>
    %stack3A_540 = vector.shape_cast %add3A_71 : vector<16x1024xf32> to vector<1x16x1024xf32>
    %stack3A_541 = vector.shape_cast %add3A_81 : vector<16x1024xf32> to vector<1x16x1024xf32>
    %stack3A_542 = vector.shape_cast %add3A_91 : vector<16x1024xf32> to vector<1x16x1024xf32>
    %stack3A_543 = vector.shape_cast %add3A_101 : vector<16x1024xf32> to vector<1x16x1024xf32>
    %stack3A_544 = vector.shape_cast %add3A_111 : vector<16x1024xf32> to vector<1x16x1024xf32>
    %stack3A_545 = vector.shape_cast %add3A_121 : vector<16x1024xf32> to vector<1x16x1024xf32>
    %stack3A_546 = vector.shape_cast %add3A_131 : vector<16x1024xf32> to vector<1x16x1024xf32>
    %stack3A_547 = vector.shape_cast %add3A_141 : vector<16x1024xf32> to vector<1x16x1024xf32>
    %stack3A_548 = vector.shape_cast %add3A_151 : vector<16x1024xf32> to vector<1x16x1024xf32>
    %stack3A_549 = vector.shape_cast %add3A_161 : vector<16x1024xf32> to vector<1x16x1024xf32>
    %stack3A_550 = vector.shape_cast %add3A_171 : vector<16x1024xf32> to vector<1x16x1024xf32>
    %stack3A_551 = tpu.concatenate %stack3A, %stack3A_536, %stack3A_537, %stack3A_538, %stack3A_539, %stack3A_540, %stack3A_541, %stack3A_542, %stack3A_543, %stack3A_544, %stack3A_545, %stack3A_546, %stack3A_547, %stack3A_548, %stack3A_549, %stack3A_550 in 0 : vector<1x16x1024xf32>, vector<1x16x1024xf32>, vector<1x16x1024xf32>, vector<1x16x1024xf32>, vector<1x16x1024xf32>, vector<1x16x1024xf32>, vector<1x16x1024xf32>, vector<1x16x1024xf32>, vector<1x16x1024xf32>, vector<1x16x1024xf32>, vector<1x16x1024xf32>, vector<1x16x1024xf32>, vector<1x16x1024xf32>, vector<1x16x1024xf32>, vector<1x16x1024xf32>, vector<1x16x1024xf32> -> vector<16x16x1024xf32>
    %stack3A_552 = vector.shape_cast %add3A_181 : vector<16x1024xf32> to vector<1x16x1024xf32>
    %stack3A_553 = vector.shape_cast %add3A_191 : vector<16x1024xf32> to vector<1x16x1024xf32>
    %stack3A_554 = vector.shape_cast %add3A_201 : vector<16x1024xf32> to vector<1x16x1024xf32>
    %stack3A_555 = vector.shape_cast %add3A_211 : vector<16x1024xf32> to vector<1x16x1024xf32>
    %stack3A_556 = vector.shape_cast %add3A_221 : vector<16x1024xf32> to vector<1x16x1024xf32>
    %stack3A_557 = vector.shape_cast %add3A_231 : vector<16x1024xf32> to vector<1x16x1024xf32>
    %stack3A_558 = vector.shape_cast %add3A_241 : vector<16x1024xf32> to vector<1x16x1024xf32>
    %stack3A_559 = vector.shape_cast %add3A_251 : vector<16x1024xf32> to vector<1x16x1024xf32>
    %stack3A_560 = vector.shape_cast %add3A_261 : vector<16x1024xf32> to vector<1x16x1024xf32>
    %stack3A_561 = vector.shape_cast %add3A_271 : vector<16x1024xf32> to vector<1x16x1024xf32>
    %stack3A_562 = vector.shape_cast %add3A_281 : vector<16x1024xf32> to vector<1x16x1024xf32>
    %stack3A_563 = vector.shape_cast %add3A_291 : vector<16x1024xf32> to vector<1x16x1024xf32>
    %stack3A_564 = vector.shape_cast %add3A_301 : vector<16x1024xf32> to vector<1x16x1024xf32>
    %stack3A_565 = vector.shape_cast %add3A_311 : vector<16x1024xf32> to vector<1x16x1024xf32>
    %stack3A_566 = vector.shape_cast %add3A_321 : vector<16x1024xf32> to vector<1x16x1024xf32>
    %stack3A_567 = vector.shape_cast %add3A_331 : vector<16x1024xf32> to vector<1x16x1024xf32>
    %stack3A_568 = vector.shape_cast %add3A_341 : vector<16x1024xf32> to vector<1x16x1024xf32>
    %stack3A_569 = vector.shape_cast %add3A_351 : vector<16x1024xf32> to vector<1x16x1024xf32>
    %stack3A_570 = vector.shape_cast %add3A_361 : vector<16x1024xf32> to vector<1x16x1024xf32>
    %stack3A_571 = vector.shape_cast %add3A_371 : vector<16x1024xf32> to vector<1x16x1024xf32>
    %stack3A_572 = vector.shape_cast %add3A_381 : vector<16x1024xf32> to vector<1x16x1024xf32>
    %stack3A_573 = vector.shape_cast %add3A_391 : vector<16x1024xf32> to vector<1x16x1024xf32>
    %stack3A_574 = vector.shape_cast %add3A_401 : vector<16x1024xf32> to vector<1x16x1024xf32>
    %stack3A_575 = vector.shape_cast %add3A_411 : vector<16x1024xf32> to vector<1x16x1024xf32>
    %stack3A_576 = vector.shape_cast %add3A_421 : vector<16x1024xf32> to vector<1x16x1024xf32>
    %stack3A_577 = vector.shape_cast %add3A_431 : vector<16x1024xf32> to vector<1x16x1024xf32>
    %stack3A_578 = vector.shape_cast %add3A_441 : vector<16x1024xf32> to vector<1x16x1024xf32>
    %stack3A_579 = vector.shape_cast %add3A_451 : vector<16x1024xf32> to vector<1x16x1024xf32>
    %stack3A_580 = vector.shape_cast %add3A_461 : vector<16x1024xf32> to vector<1x16x1024xf32>
    %stack3A_581 = vector.shape_cast %add3A_471 : vector<16x1024xf32> to vector<1x16x1024xf32>
    %stack3A_582 = vector.shape_cast %add3A_481 : vector<16x1024xf32> to vector<1x16x1024xf32>
    %stack3A_583 = vector.shape_cast %add3A_491 : vector<16x1024xf32> to vector<1x16x1024xf32>
    %stack3A_584 = vector.shape_cast %add3A_501 : vector<16x1024xf32> to vector<1x16x1024xf32>
    %stack3A_585 = vector.shape_cast %add3A_511 : vector<16x1024xf32> to vector<1x16x1024xf32>
    %stack3A_586 = vector.shape_cast %add3A_521 : vector<16x1024xf32> to vector<1x16x1024xf32>
    %stack3A_587 = vector.shape_cast %add3A_531 : vector<16x1024xf32> to vector<1x16x1024xf32>
    %stack3A_588 = tpu.concatenate %stack3A_552, %stack3A_553, %stack3A_554, %stack3A_555, %stack3A_556, %stack3A_557, %stack3A_558, %stack3A_559, %stack3A_560, %stack3A_561, %stack3A_562, %stack3A_563, %stack3A_564, %stack3A_565, %stack3A_566, %stack3A_567, %stack3A_568, %stack3A_569, %stack3A_570, %stack3A_571, %stack3A_572, %stack3A_573, %stack3A_574, %stack3A_575, %stack3A_576, %stack3A_577, %stack3A_578, %stack3A_579, %stack3A_580, %stack3A_581, %stack3A_582, %stack3A_583, %stack3A_584, %stack3A_585, %stack3A_586, %stack3A_587 in 0 : vector<1x16x1024xf32>, vector<1x16x1024xf32>, vector<1x16x1024xf32>, vector<1x16x1024xf32>, vector<1x16x1024xf32>, vector<1x16x1024xf32>, vector<1x16x1024xf32>, vector<1x16x1024xf32>, vector<1x16x1024xf32>, vector<1x16x1024xf32>, vector<1x16x1024xf32>, vector<1x16x1024xf32>, vector<1x16x1024xf32>, vector<1x16x1024xf32>, vector<1x16x1024xf32>, vector<1x16x1024xf32>, vector<1x16x1024xf32>, vector<1x16x1024xf32>, vector<1x16x1024xf32>, vector<1x16x1024xf32>, vector<1x16x1024xf32>, vector<1x16x1024xf32>, vector<1x16x1024xf32>, vector<1x16x1024xf32>, vector<1x16x1024xf32>, vector<1x16x1024xf32>, vector<1x16x1024xf32>, vector<1x16x1024xf32>, vector<1x16x1024xf32>, vector<1x16x1024xf32>, vector<1x16x1024xf32>, vector<1x16x1024xf32>, vector<1x16x1024xf32>, vector<1x16x1024xf32>, vector<1x16x1024xf32>, vector<1x16x1024xf32> -> vector<36x16x1024xf32>
    %get3A_589 = arith.constant 0 : index
    %get3A_590 = arith.constant 0 : index
    %get3A_591 = arith.constant 0 : index
    %get3A_592 = arith.constant 0 : index
    %get3A_593 = vector.load %arg5[%get3A_589, %get3A_590, %get3A_591, %get3A_592] : memref<1x6x16x1024xf32, #tpu.memory_space<vmem>>, vector<1x6x16x1024xf32>
    %get3A_594 = vector.shape_cast %get3A_593 : vector<1x6x16x1024xf32> to vector<6x16x1024xf32>
    %concatenate3A = tpu.concatenate %transpose3A, %get3A_535, %stack3A_551, %stack3A_588, %get3A_594 in 0 : vector<16x16x1024xf32>, vector<48x16x1024xf32>, vector<16x16x1024xf32>, vector<36x16x1024xf32>, vector<6x16x1024xf32> -> vector<122x16x1024xf32>
    %swap3A = arith.constant 0 : index
    %swap3A_595 = arith.constant 0 : index
    %swap3A_596 = arith.constant 0 : index
    %swap3A_597 = arith.constant 0 : index
    %swap3A_598 = vector.load %arg10[%swap3A, %swap3A_595, %swap3A_596, %swap3A_597] : memref<1x122x16x1024xf32, #tpu.memory_space<vmem>>, vector<1x122x16x1024xf32>
    %swap3A_599 = vector.shape_cast %swap3A_598 : vector<1x122x16x1024xf32> to vector<122x16x1024xf32>
    %swap3A_600 = vector.shape_cast %concatenate3A : vector<122x16x1024xf32> to vector<1x122x16x1024xf32>
    tpu.vector_store %arg10[%swap3A, %swap3A_595, %swap3A_596, %swap3A_597], %swap3A_600 {strides = array<i32>} : memref<1x122x16x1024xf32, #tpu.memory_space<vmem>>, vector<1x122x16x1024xf32>,
    return
  }
  func.func @transform_0(%arg0: i32) -> (i32, i32, i32, i32) {
    %c0_i32 = arith.constant 0 : i32
    %c0_i32_0 = arith.constant 0 : i32
    %c0_i32_1 = arith.constant 0 : i32
    %c0_i32_2 = arith.constant 0 : i32
    return %c0_i32, %arg0, %c0_i32_0, %c0_i32_1 : i32, i32, i32, i32
  }
  func.func @transform_1(%arg0: i32) -> (i32, i32, i32) {
    %c0_i32 = arith.constant 0 : i32
    %c0_i32_0 = arith.constant 0 : i32
    %c0_i32_1 = arith.constant 0 : i32
    %c0_i32_2 = arith.constant 0 : i32
    return %c0_i32, %c0_i32_0, %c0_i32_1 : i32, i32, i32
  }
  func.func @transform_2(%arg0: i32) -> (i32, i32, i32) {
    %c0_i32 = arith.constant 0 : i32
    %c0_i32_0 = arith.constant 0 : i32
    %c0_i32_1 = arith.constant 0 : i32
    %c0_i32_2 = arith.constant 0 : i32
    return %c0_i32, %c0_i32_0, %c0_i32_1 : i32, i32, i32
  }
  func.func @transform_3(%arg0: i32) -> (i32, i32, i32, i32) {
    %c0_i32 = arith.constant 0 : i32
    %c0_i32_0 = arith.constant 0 : i32
    %c0_i32_1 = arith.constant 0 : i32
    %c0_i32_2 = arith.constant 0 : i32
    return %arg0, %c0_i32, %c0_i32_0, %c0_i32_1 : i32, i32, i32, i32
  }
  func.func @transform_4(%arg0: i32) -> (i32, i32, i32, i32) {
    %c0_i32 = arith.constant 0 : i32
    %c0_i32_0 = arith.constant 0 : i32
    %c0_i32_1 = arith.constant 0 : i32
    %c0_i32_2 = arith.constant 0 : i32
    return %arg0, %c0_i32, %c0_i32_0, %c0_i32_1 : i32, i32, i32, i32
  }
  func.func @transform_5(%arg0: i32) -> i32 {
    %c0_i32 = arith.constant 0 : i32
    %c0_i32_0 = arith.constant 0 : i32
    return %c0_i32 : i32
  }
  func.func @transform_6(%arg0: i32) -> i32 {
    %c0_i32 = arith.constant 0 : i32
    %c0_i32_0 = arith.constant 0 : i32
    return %c0_i32 : i32
  }
  func.func @transform_7(%arg0: i32) -> i32 {
    %c0_i32 = arith.constant 0 : i32
    %c0_i32_0 = arith.constant 0 : i32
    return %c0_i32 : i32
  }
  func.func @transform_8(%arg0: i32) -> i32 {
    %c0_i32 = arith.constant 0 : i32
    %c0_i32_0 = arith.constant 0 : i32
    return %c0_i32 : i32
  }
  func.func @transform_9(%arg0: i32) -> (i32, i32, i32, i32) {
    %c0_i32 = arith.constant 0 : i32
    %c0_i32_0 = arith.constant 0 : i32
    %c0_i32_1 = arith.constant 0 : i32
    %c0_i32_2 = arith.constant 0 : i32
    return %arg0, %c0_i32, %c0_i32_0, %c0_i32_1 : i32, i32, i32, i32
  }
}

</mosaic_0001>

<sc_bundles>
// kernel: kernel.4.cloned.1.call-start
scs
__scs_entry_jumppad:
0x0: {  	(pc) =	sbr.rel $0x88, $3  }
0x1: {  	(tag) =	ssettag $0x0;
	lr =	simm.s32 $0x1  }
0x2: {  	[smem:$0x3F99] =	sst lr;
	_ =	strace $0xD0000000  }
0x3: {  	_ = 	snop  }
0x4: {  	_ = 	snop  }
0x5: {  	_ = 	snop  }
0x6: {  	_ = 	snop  }
0x7: {  	_ = 	snop  }
__scs_overlays_trampoline_lowered:
0x8: {  	[smem:$0x3FA8] =	sst s0  }
0x9: {  	[smem:$0x3FA9] =	sst s1  }
0xa: {  	[smem:$0x3FAA] =	sst s2  }
0xb: {  	[smem:$0x3FAB] =	sst s3  }
0xc: {  	[smem:$0x3FAC] =	sst s4  }
0xd: {  	[smem:$0x3FAD] =	sst s5  }
0xe: {  	[smem:$0x3FAE] =	sst s6  }
0xf: {  	[smem:$0x3FAF] =	sst s7  }
0x10: {  	[smem:$0x3FB0] =	sst s8  }
0x11: {  	[smem:$0x3FB1] =	sst s9;
	s0 =	simm.s32 @!p0 $0x0  }
0x12: {  	s1 =	sld [smem:$0x3F97];
	s0 =	simm.s32 @p0 $0x1  }
0x13: {  	[smem:$0x3FB2] =	sst s0;
	s0 =	simm.s32 @!p1 $0x0  }
0x14: {  	s2 =	sld [smem:$0x3F96];
	s0 =	simm.s32 @p1 $0x1  }
0x15: {  	[smem:$0x3FB3] =	sst s0;
	s0 =	simm.s32 @!p2 $0x0  }
0x16: {  	s3 =	sld [smem:$0x3FDB];
	s0 =	simm.s32 @p2 $0x1  }
0x17: {  	s4 =	simm.s32 $0x1BF5;
	[smem:$0x3FB5] =	sst s0  }
0x18: {  	s0 =	sld [smem:$0x3F98];
	_ =	swait.ge [sflag:s4], $0x0  }
0x19: {  	s7 =	sld [smem:$0x3F99]  }
0x1a: {  	s8 =	sadd.s32 $0xFFFFE003, lr  }
0x1b: {  	s9 =	sadd.s32 $0xFFFFFEF7, lr;
	s5 =	simm.s32 $0xFFFFFFFF;
	p2 =	slt.u32 s8, $0xFFFFF086  }
0x1c: {  	p1 =	slt.u32 s9, $0xF7A;
	s5 =	simm.s32 @!p2 $0x0  }
0x1d: {  	s5 =	simm.s32 @p1 $0x1;
	p0 =	seq.s32 s7, s2  }
0x1e: {  	s7 =	smul.u32 @!p0 $0xF7A, s2;
	p2 =	seq.s32 @!p0 s5, $0x0  }
0x1f: {  	s9 =	smul.u32 $0xF7A, s1;
	s8 =	simm.s32 @!p0 $0x1BF5;
	p2 =	por !p2, p0  }
0x20: {  	[sflag:s8] =	ssyncset.s32 @!p0 $0xFFFFF086;
	s6 =	sadd.s32 @!p0 s3, s7;
	s7 =	simm.s32 @!p0 $0x108  }
0x21: {  	s3 =	sadd.s32 s3, s9;
	s6 =	sadd.s32 @!p0 $0x88, s6;
	s7 =	simm.s32 @p2 $0x1082  }
0x22: {  	[simem:s7], [sflag:s8] =	dma.local @!p0 [hbm:s6], $0xF7A  }
0x23: {  	s9 =	sor.u32 $0xD0000000, s2;
	s6 =	simm.s32 $0x108;
	_ =	swait.ge @!p0 [sflag:s8], $0x0  }
0x24: {  	s3 =	sadd.s32 $0x88, s3;
	s6 =	simm.s32 @!p1 $0x1082;
	[sflag:s4] =	ssyncset.s32 $0xFFFFF086  }
0x25: {  	[simem:s6], [sflag:s4] =	dma.local [hbm:s3], $0xF7A  }
0x26: {  	[smem:$0x3F99] =	sst s1;
	(tag) =	ssettag s2;
	_ =	strace s9  }
0x27: {  	s1 =	sld [smem:$0x3FA9]  }
0x28: {  	s2 =	sld [smem:$0x3FAA]  }
0x29: {  	s4 =	sld [smem:$0x3FAC]  }
0x2a: {  	p0 =	seq.s32 s5, $0x0;
	s5 =	sld [smem:$0x3FAD]  }
0x2b: {  	s6 =	sld [smem:$0x3FAE]  }
0x2c: {  	s7 =	sld [smem:$0x3FAF]  }
0x2d: {  	s3 =	simm.s32 $0x108;
	s8 =	sld [smem:$0x3FB0]  }
0x2e: {  	s3 =	simm.s32 @!p0 $0x1082;
	s9 =	sld [smem:$0x3FB1]  }
0x2f: {  	lr =	sadd.s32 s0, s3;
	s0 =	sld [smem:$0x3FA8]  }
0x30: {  	s3 =	sld [smem:$0x3FAB]  }
0x31: {  	[smem:$0x3FB4] =	sst s10  }
0x32: {  	s10 =	sld [smem:$0x3FB2];
	_ =	sdelay $0x3  }
0x33: {  	p0 =	seq.s32 s10, $0x1;
	s10 =	sld [smem:$0x3FB4];
	_ =	sdelay $0x3  }
0x34: {  	[smem:$0x3FB4] =	sst s10  }
0x35: {  	s10 =	sld [smem:$0x3FB3];
	_ =	sdelay $0x3  }
0x36: {  	p1 =	seq.s32 s10, $0x1;
	s10 =	sld [smem:$0x3FB4];
	_ =	sdelay $0x3  }
0x37: {  	[smem:$0x3FB4] =	sst s10  }
0x38: {  	s10 =	sld [smem:$0x3FB5]  }
0x39: {  	_ = 	snop;
	(pc) =	sbr.ind lr, $3  }
0x3a: {  	_ = 	snop  }
0x3b: {  	_ = 	snop  }
0x3c: {  	p2 =	seq.s32 s10, $0x1;
	s10 =	sld [smem:$0x3FB4]  }
0x3d: {  	_ =	shalt  }
0x3e: {  	_ =	shalt  }
0x3f: {  	_ =	shalt  }
0x40: {  	_ =	shalt  }
0x41: {  	_ =	shalt  }
0x42: {  	_ =	shalt  }
0x43: {  	_ =	shalt  }
0x44: {  	_ =	shalt  }
0x45: {  	_ =	shalt  }
0x46: {  	_ =	shalt  }
0x47: {  	_ =	shalt  }
0x48: {  	_ =	shalt  }
0x49: {  	_ =	shalt  }
0x4a: {  	_ =	shalt  }
0x4b: {  	_ =	shalt  }
0x4c: {  	_ =	shalt  }
0x4d: {  	_ =	shalt  }
0x4e: {  	_ =	shalt  }
0x4f: {  	_ =	shalt  }
0x50: {  	_ =	shalt  }
0x51: {  	_ =	shalt  }
0x52: {  	_ =	shalt  }
0x53: {  	_ =	shalt  }
0x54: {  	_ =	shalt  }
0x55: {  	_ =	shalt  }
0x56: {  	_ =	shalt  }
0x57: {  	_ =	shalt  }
0x58: {  	_ =	shalt  }
0x59: {  	_ =	shalt  }
0x5a: {  	_ =	shalt  }
0x5b: {  	_ =	shalt  }
0x5c: {  	_ =	shalt  }
0x5d: {  	_ =	shalt  }
0x5e: {  	_ =	shalt  }
0x5f: {  	_ =	shalt  }
0x60: {  	_ =	shalt  }
0x61: {  	_ =	shalt  }
0x62: {  	_ =	shalt  }
0x63: {  	_ =	shalt  }
0x64: {  	_ =	shalt  }
0x65: {  	_ =	shalt  }
0x66: {  	_ =	shalt  }
0x67: {  	_ =	shalt  }
0x68: {  	_ =	shalt  }
0x69: {  	_ =	shalt  }
0x6a: {  	_ =	shalt  }
0x6b: {  	_ =	shalt  }
0x6c: {  	_ =	shalt  }
0x6d: {  	_ =	shalt  }
0x6e: {  	_ =	shalt  }
0x6f: {  	_ =	shalt  }
0x70: {  	_ =	shalt  }
0x71: {  	_ =	shalt  }
0x72: {  	_ =	shalt  }
0x73: {  	_ =	shalt  }
0x74: {  	_ =	shalt  }
0x75: {  	_ =	shalt  }
0x76: {  	_ =	shalt  }
0x77: {  	_ =	shalt  }
0x78: {  	_ =	shalt  }
0x79: {  	_ =	shalt  }
0x7a: {  	_ =	shalt  }
0x7b: {  	_ =	shalt  }
0x7c: {  	_ =	shalt  }
0x7d: {  	_ =	shalt  }
0x7e: {  	_ =	shalt  }
0x7f: {  	_ =	shalt  }
0x80: {  	_ =	shalt  }
0x81: {  	_ =	shalt  }
0x82: {  	_ =	shalt  }
0x83: {  	_ =	shalt  }
0x84: {  	_ =	shalt  }
0x85: {  	_ =	shalt  }
0x86: {  	_ =	shalt  }
0x87: {  	_ =	shalt  }
.Lfunc_end0:
.L_simem_size_0:
called_computation_lowered:
.L_overlay_start_0:
0x88: {  	s2 =	sld [smem:$0x3FD9]  }
0x89: {  	s3 =	sld [smem:$0x3FFE];
	_ =	sdelay $0x1  }
0x8a: {  	s1 =	srdreg.scid  }
0x8b: {  	s0 =	sand.u32 $0x1, s1  }
0x8c: {  	s18 =	sshll.u32 s0, $0xA;
	s2 =	sadd.s32 s3, s2  }
0x8d: {  	s2 =	sadd.s32 s2, s18  }
0x8e: {  	[smem:$0x3FC0] =	sst s2  }
0x8f: {  	_ = 	snop  }
0x90: {  	s2 =	sld [smem:$0x3FC8]  }
0x91: {  	s19 =	sld [smem:$0x3FC4]  }
0x92: {  	s4 =	sld [smem:$0x3FD0];
	(tm) =	ssettm $0x1  }
0x93: {  	s5 =	sld [smem:$0x3FFB];
	_ =	sdelay $0x3  }
0x94: {  	_ =	strace s5  }
0x95: {  	s5 =	sld [smem:$0x3FFC];
	_ =	sdelay $0x3  }
0x96: {  	_ =	strace s5  }
0x97: {  	s5 =	sld [smem:$0x3FFD];
	_ =	sdelay $0x3  }
0x98: {  	_ =	strace s5  }
0x99: {  	_ =	strace $0x8FFFFFFF  }
0x9a: {  	s20 =	sld [smem:$0x3FDB];
	_ =	sdelay $0x1  }
0x9b: {  	s6 =	simm.s32 $_scs_section_size  }
0x9c: {  	s7 =	simm.s32 $_size__tile_overlayer_lowered;
	s8 =	simm.s32 $_tile_overlayer_lowered  }
0x9d: {  	s23 =	simm.s32 $0x1BFF;
	s22 =	sshll.u32 s8, $0x1;
	s5 =	sadd.s32 s6, s20  }
0x9e: {  	s9 =	simm.s32 $0x0;
	s21 =	sshll.u32 s7, $0x1;
	s7 =	sadd.s32 s22, s5  }
0x9f: {  	[timem:s9], [sflag:s23] =	dma.local [hbm:s7], s21  }
0xa0: {  	_ =	swait.ge [sflag:s23], s21  }
0xa1: {  	s6 =	ssub.s32 $0x0, s21;
	[sflag:s23] =	ssyncset.done $0x0  }
0xa2: {  	[sflag:s23] =	ssyncadd.s32 s6;
	_ =	sdelay $0x1  }
0xa3: {  	s24 =	simm.s32 $0x1B8B  }
0xa4: {  	_ =	swait.ge [sflag:s24], $0x1  }
0xa5: {  	[sflag:s24] =	ssyncset.done $0x0  }
0xa6: {  	s25 =	simm.s32 $0x1B8E;
	[sflag:s24] =	ssyncadd.s32 $0xFFFFFFFF  }
0xa7: {  	s26 =	simm.s32 $execute0_lowered;
	[smem:$0x3FD2] =	sst s25  }
0xa8: {  	s6 =	sshll.u32 s26, $0x1;
	_ =	strace $0x80000046;
	[dreg:$0x1] =	wrdreg $0xFFFFFFFF  }
0xa9: {  	s28 =	simm.s32 $_size_execute0_lowered;
	s5 =	sadd.s32 s5, s6;
	[dreg:$0x0] =	wrdreg $0x0  }
0xaa: {  	s6 =	sshll.u32 s28, $0x1;
	[dreg:$0x2] =	wrdreg s5  }
0xab: {  	[dreg:$0x3] =	wrdreg s6  }
0xac: {  	[dreg:$0x4] =	wrdreg $0xC0  }
0xad: {  	_ =	task [dreg:s9], $0x5FFFF  }
0xae: {  	[dreg:$0x1] =	wrdreg $0xFFFFFFFF  }
0xaf: {  	[dreg:$0x0] =	wrdreg $0x60  }
0xb0: {  	[dreg:$0x2] =	wrdreg s19  }
0xb1: {  	[dreg:$0x3] =	wrdreg s2  }
0xb2: {  	[dreg:$0x4] =	wrdreg s4  }
0xb3: {  	[dreg:$0x5] =	wrdreg $0x9  }
0xb4: {  	_ =	task.clear_ibuf [dreg:s9], $0x6FFFF;
	_ =	strace $0x90000046  }
0xb5: {  	s29 =	simm.s32 $0x9;
	_ =	strace $0x80000048  }
0xb6: {  	_ =	swait.ge [sflag:s29], $0x1  }
0xb7: {  	[sflag:s29] =	ssyncadd.s32 $0xFFFFFFFF  }
0xb8: {  	_ =	strace $0x90000048  }
0xb9: {  	_ =	sfence  }
0xba: {  	s30 =	sld [smem:$0x0];
	_ =	sdelay $0x2  }
0xbb: {  	s31 =	sshll.u32 s1, $0xD;
	s1 =	sshrl.u32 s1, $0x2  }
0xbc: {  	s3 =	sand.u32 $0x4000, s31;
	s1 =	sadd.s32 s1, s30  }
0xbd: {  	s0 =	sor.u32 s3, s0;
	s1 =	sshll.u32 s1, $0x11  }
0xbe: {  	s0 =	sor.u32 s1, s0  }
0xbf: {  	s0 =	sadd.s32 $0x8F2B, s0  }
0xc0: {  	[sflag:s0] =	ssyncadd.remote.s32 $0x1  }
0xc1: {  	_ =	sfence.sel $0xFFFF  }
0xc2: {  	[dreg:$0x0] =	wrdreg $0xFFFFFFFF;
	(pc) =	sbr.abs _section_cstart, $3  }
0xc3: {  	[dreg:$0x1] =	wrdreg $0xFFFFFFFF  }
0xc4: {  	_ =	task.clear_ibuf [dreg:s9], $0x2FFFF;
	_ =	strace $0x9FFFFFFF  }
0xc5: {  	(tm) =	ssettm $0x7FFFFFFF  }
tec
execute0_lowered:
.L_overlay_start_1:
0x0: {  	(tag) =	ssettag $0x1  }
0x1: {  	s0 =	srdreg.scid;
	s1 =	stileid.u32  }
0x2: {  	s3 =	rddreg [dreg:$0x1];
	s5 =	sand.u32 $0x1, s0;
	s20 =	sshll.u32 s1, $0x1  }
0x3: {  	s4 =	rddreg [dreg:$0x2];
	s0 =	sor.u32 s5, s20  }
0x4: {  	s2 =	simm.s32 $0x0;
	s1 =	rddreg [dreg:$0x0];
	s6 =	smul.u32 $0x3, s0  }
0x5: {  	s31 =	simm.s32 $0x1C700;
	[smem:$0x7FF] =	sst s2;
	s10 =	ssub.s32 $0x2, s5  }
0x6: {  	_ =	strace $0x80000047;
	s11 =	sshrl.u32 s10, $0x1;
	s0 =	sshrl.u32 s6, $0x5  }
0x7: {  	s7 =	sshll.u32 s6, $0x1B;
	s9 =	sshll.u32 s6, $0x6;
	s24 =	sadd.s32 $0x1, s6  }
0x8: {  	s8 =	smul.u32 $0x187000, s0;
	s7 =	sshra.s32 s7, $0x1F;
	s21 =	sand.u32 $0x380, s9  }
0x9: {  	s22 =	sand.u32 $0x1800, s9;
	s9 =	sshll.u32 s5, $0xD;
	s12 =	sshrl.u32 s24, $0x5  }
0xa: {  	s13 =	sshll.u32 s24, $0x1B;
	s15 =	sshll.u32 s24, $0x6;
	s7 =	sand.u32 $0xC3800, s7  }
0xb: {  	s23 =	sadd.s32 s3, s22;
	s5 =	sor.u32 $0x18700, s9;
	s14 =	smul.u32 $0x187000, s12  }
0xc: {  	s13 =	sshra.s32 s13, $0x1F;
	s30 =	sand.u32 $0x380, s15;
	s16 =	sand.u32 $0x3800, s15  }
0xd: {  	p2 =	seq.s32 s12, s0;
	s7 =	sadd.s32 s8, s7;
	s8 =	ssub.s32 s10, s11  }
0xe: {  	s11 =	sshrl.u32 s6, $0x1;
	[dreg:$0x5] =	wrdreg s23;
	s13 =	sand.u32 $0xC3800, s13  }
0xf: {  	s17 =	sadd.s32 s3, s16;
	s6 =	sadd.s32 $0x2, s6;
	s16 =	sor.u32 $0x18800, s9  }
0x10: {  	s0 =	simm.s32 @!p2 $0x0;
	s7 =	sor.u32 s21, s7;
	s25 =	sshll.u32 s11, $0xE  }
0x11: {  	s26 =	sadd.s32 s14, s13;
	s14 =	sshrl.u32 s24, $0x1;
	[dreg:$0x8] =	wrdreg s17  }
0x12: {  	s23 =	sshrl.u32 s6, $0x5;
	s19 =	sshll.u32 s6, $0x1B;
	s17 =	sor.u32 $0x18880, s9  }
0x13: {  	s0 =	simm.s32 @p2 $0x1;
	s7 =	sshrl.u32 s7, $0x3;
	s10 =	sor.u32 s9, s25  }
0x14: {  	s18 =	sshll.u32 s14, $0xB;
	s20 =	smul.u32 $0x187000, s23;
	s21 =	sshra.s32 s19, $0x1F  }
0x15: {  	s19 =	sshrl.u32 s6, $0x1;
	s6 =	sshll.u32 s6, $0x6;
	p0 =	seq.s32 s14, s11  }
0x16: {  	[smem:$0x7FD] =	sst s0;
	p3 =	seq.s32 s23, s12;
	s7 =	sadd.s32 s1, s7  }
0x17: {  	s10 =	sshrl.u32 s10, $0x3;
	s22 =	sand.u32 $0x380, s6;
	s6 =	sand.u32 $0x3800, s6  }
0x18: {  	p1 =	seq.s32 s19, s14;
	[dreg:$0x4] =	wrdreg s7;
	s10 =	sadd.s32 s4, s10  }
0x19: {  	s7 =	sshll.u32 s24, $0x3;
	s24 =	sshll.u32 s19, $0xE;
	s25 =	sadd.s32 s3, s6  }
0x1a: {  	s19 =	sor.u32 $0x18980, s9;
	s3 =	simm.s32 $0x0;
	[dreg:$0x6] =	wrdreg s10  }
0x1b: {  	s10 =	sor.u32 s30, s26;
	s7 =	sand.u32 $0x8, s7;
	s15 =	sor.u32 s9, s24  }
0x1c: {  	[dreg:$0xb] =	wrdreg s25;
	s30 =	smax.u32 s8, $0x1;
	s10 =	sshrl.u32 s10, $0x3  }
0x1d: {  	s13 =	sshll.u32 s7, $0xA;
	s7 =	sshll.u32 s7, $0x7;
	s15 =	sshrl.u32 s15, $0x3  }
0x1e: {  	[dreg:$0xd] =	wrdreg s30;
	s10 =	sadd.s32 s1, s10;
	s26 =	sadd.s32 s4, s15  }
0x1f: {  	s15 =	sor.u32 $0x18780, s9;
	s23 =	sor.u32 $0x18800, s13;
	s24 =	sor.u32 $0x18880, s13  }
0x20: {  	s25 =	sor.u32 $0x18900, s13;
	[dreg:$0x7] =	wrdreg s10;
	s10 =	sadd.s32 s4, s18  }
0x21: {  	s28 =	sor.u32 $0x18A00, s13;
	s7 =	sadd.s32 s7, s10;
	s10 =	sand.u32 $0xC3800, s21  }
0x22: {  	s29 =	sor.u32 $0x18A80, s13;
	[dreg:$0x9] =	wrdreg s7;
	s7 =	sadd.s32 s20, s10  }
0x23: {  	[dreg:$0xc] =	wrdreg s26;
	s18 =	sor.u32 $0x18900, s9;
	s7 =	sor.u32 s22, s7  }
0x24: {  	s26 =	sor.u32 $0x18980, s13;
	s21 =	sor.u32 $0x18A80, s9;
	s7 =	sshrl.u32 s7, $0x3  }
0x25: {  	s10 =	sor.u32 $0x18700, s13;
	s20 =	sor.u32 $0x18A00, s9;
	s1 =	sadd.s32 s1, s7  }
0x26: {  	s22 =	sor.u32 $0x18780, s13;
	[dreg:$0xa] =	wrdreg s1;
	s1 =	simm.s32 $0x3  }
.LBB2_1:
0x27: {  	s0 =	rddreg [dreg:$0x4];
	s4 =	simm.s32 $0x80;
	s6 =	simm.s32 $0x400  }
0x28: {  	[tilespmem:s2], [sflag:$0x1] =	stream.strided.gather [hbm4b:s0+s4], $0x18700, s6, s4, $0x38;
	[tilespmem:$0x1E700] =	vst v63  }
0x29: {  	s11 =	rddreg [dreg:$0x5];
	s12 =	simm.s32 $0x18700;
	s13 =	simm.s32 $0x2  }
0x2a: {  	[tilespmem:s12], [sflag:$0x2] =	stream.linear.gather [hbm4b:s11+s2], $0x4000, $0x38;
	[tilespmem:$0x1E700] =	vst v63  }
0x2b: {  	_ =	swait.ge [sflag:s13], $0x4000  }
0x2c: {  	[sflag:s13] =	ssyncset.done $0x0  }
0x2d: {  	s7 =	simm.s32 $0x1;
	[sflag:s13] =	ssyncadd.s32 $0xFFFFC000  }
0x2e: {  	s4 =	sand.u32 $0x1C00, s2;
	_ =	swait.ge [sflag:s7], $0x18700  }
0x2f: {  	s6 =	sand.u32 $0x70, s2;
	s14 =	sadd.s32 s4, s5;
	[sflag:s7] =	ssyncset.done $0x0  }
0x30: {  	s0 =	sadd.s32 s6, s14;
	[sflag:s7] =	ssyncadd.s32 $0xFFFE7900  }
0x31: {  	v0 =	vld [tilespmem:s0+$0x0];
	_ =	sdelay $0x7  }
0x32: {  	v0 =	vld.idx.msk [tilespmem:v0+s2+$0x0], $0xffff;
	_ =	sdelay $0x1  }
0x33: {  	s30 =	simm.s32 $0x10;
	s8 =	simm.s32 $0x80  }
0x34: {  	s9 =	sand.u32 $0x70, s30;
	s11 =	sand.u32 $0x1C00, s8;
	s0 =	simm.s32 $0x20  }
.LBB2_2:
0x35: {  	p4 =	sne.s32 s0, $0x3F0;
	s7 =	sadd.s32 s11, s5;
	s4 =	sor.u32 s6, s4  }
0x36: {  	s6 =	smov.u32 s9;
	s7 =	sadd.s32 s9, s7;
	[tilespmem:s4+$0x1C700] =	vst v0;
	s4 =	smov.u32 s11  }
0x37: {  	v0 =	vld [tilespmem:s7+$0x0];
	_ =	sdelay $0x6  }
0x38: {  	s7 =	simm.s32 $0x0  }
.Ltmp0:
0x39: {  	v0 =	vld.idx.msk [tilespmem:v0+s7+$0x0], $0xffff;
	(pc) =	sbr.rel @p4 .LBB2_2-.Ltmp0, $3  }
0x3a: {  	_ =	sdelay $0x1  }
0x3b: {  	s8 =	sadd.s32 $0x80, s8  }
0x3c: {  	s9 =	sand.u32 $0x70, s0;
	s11 =	sand.u32 $0x1C00, s8;
	s0 =	sadd.s32 $0x10, s0  }
0x3d: {  	s0 =	sadd.s32 s11, s5;
	s4 =	sor.u32 s6, s4  }
0x3e: {  	s0 =	sadd.s32 s9, s0;
	[tilespmem:s4+$0x1C700] =	vst v0  }
0x3f: {  	v0 =	vld [tilespmem:s0+$0x0];
	_ =	sdelay $0x7  }
0x40: {  	p5 =	por $0x1, $0x1;
	v0 =	vld.idx.msk [tilespmem:v0+s7+$0x0], $0xffff  }
.Ltmp1:
0x41: {  	_ = 	snop;
	(pc) =	sbr.rel @!p5 .LBB2_7-.Ltmp1, $4  }
0x42: {  	_ = 	snop  }
0x43: {  	s30 =	sor.u32 s9, s11;
	s14 =	sand.u32 $0x70, s7  }
0x44: {  	s13 =	sand.u32 $0x1C00, s7;
	s8 =	simm.s32 $0x10;
	p4 =	por $0x0, $0x0  }
0x45: {  	p6 =	por $0x0, $0x0;
	s9 =	smov.u32 s13;
	s12 =	smov.u32 s14;
	[tilespmem:s30+$0x1C700] =	vst v0  }
0x46: {  	s0 =	sadd.s32 s13, s15  }
0x47: {  	s0 =	sadd.s32 s14, s0  }
0x48: {  	v0 =	vld [tilespmem:s0+$0x0];
	_ =	sdelay $0x5  }
0x49: {  	p2 =	por $0x1, $0x1  }
.Ltmp2:
0x4a: {  	_ = 	snop;
	(pc) =	sbr.rel @!p2 .LBB2_5-.Ltmp2, $4  }
0x4b: {  	v0 =	vld.idx.msk [tilespmem:v0+s7+$0x0], $0xffff  }
0x4c: {  	s11 =	simm.s32 $0x80  }
0x4d: {  	s12 =	sand.u32 $0x70, s8;
	p6 =	por $0x1, $0x1;
	s6 =	smov.u32 s13  }
0x4e: {  	s4 =	smov.u32 s14;
	s9 =	sand.u32 $0x1C00, s11;
	s0 =	simm.s32 $0x20  }
.LBB2_6:
0x4f: {  	p2 =	sne.s32 s0, $0x3F0;
	s30 =	sadd.s32 s9, s15;
	s4 =	sor.u32 s4, s6  }
0x50: {  	s6 =	smov.u32 s9;
	s30 =	sadd.s32 s12, s30;
	[tilespmem:s4+$0x1C780] =	vst v0;
	s4 =	smov.u32 s12  }
0x51: {  	v0 =	vld [tilespmem:s30+$0x0];
	_ =	sdelay $0x7  }
.Ltmp3:
0x52: {  	v0 =	vld.idx.msk [tilespmem:v0+s7+$0x0], $0xffff;
	(pc) =	sbr.rel @p2 .LBB2_6-.Ltmp3, $3  }
0x53: {  	_ =	sdelay $0x1  }
0x54: {  	s11 =	sadd.s32 $0x80, s11  }
0x55: {  	s12 =	sand.u32 $0x70, s0;
	s9 =	sand.u32 $0x1C00, s11;
	s0 =	sadd.s32 $0x10, s0  }
.LBB2_7:
0x56: {  	s0 =	sadd.s32 s9, s15;
	s4 =	sor.u32 @p6 s4, s6  }
0x57: {  	s0 =	sadd.s32 s12, s0;
	[tilespmem:s4+$0x1C780] =	vst @p6 v0  }
0x58: {  	v0 =	vld [tilespmem:s0+$0x0];
	_ =	sdelay $0x7  }
0x59: {  	v0 =	vld.idx.msk [tilespmem:v0+s7+$0x0], $0xffff  }
.Ltmp4:
0x5a: {  	_ = 	snop;
	(pc) =	sbr.rel @!p5 .LBB2_8-.Ltmp4, $3  }
0x5b: {  	_ =	sdelay $0x1  }
0x5c: {  	s30 =	sor.u32 s12, s9  }
0x5d: {  	[tilespmem:s30+$0x1C780] =	vst v0  }
0x5e: {  	s0 =	sadd.s32 s13, s16  }
0x5f: {  	s0 =	sadd.s32 s14, s0  }
0x60: {  	v0 =	vld [tilespmem:s0+$0x0];
	_ =	sdelay $0x5  }
0x61: {  	p2 =	por $0x1, $0x1  }
.Ltmp5:
0x62: {  	s4 =	simm.s32 $0x0;
	(pc) =	sbr.rel @!p2 .LBB2_10-.Ltmp5, $3  }
0x63: {  	v0 =	vld.idx.msk [tilespmem:v0+s4+$0x0], $0xffff;
	_ =	sdelay $0x1  }
0x64: {  	s6 =	simm.s32 $0x80;
	s8 =	sand.u32 $0x70, s8  }
0x65: {  	p4 =	por $0x1, $0x1;
	s7 =	sand.u32 $0x1C00, s6;
	s0 =	simm.s32 $0x20  }
.LBB2_11:
0x66: {  	p2 =	sne.s32 s0, $0x3F0;
	s9 =	sadd.s32 s7, s16;
	s11 =	sor.u32 s14, s13  }
0x67: {  	s14 =	smov.u32 s8;
	s13 =	smov.u32 s7;
	s9 =	sadd.s32 s8, s9;
	[tilespmem:s11+$0x1C800] =	vst v0  }
0x68: {  	v0 =	vld [tilespmem:s9+$0x0];
	_ =	sdelay $0x7  }
.Ltmp6:
0x69: {  	v0 =	vld.idx.msk [tilespmem:v0+s4+$0x0], $0xffff;
	(pc) =	sbr.rel @p2 .LBB2_11-.Ltmp6, $3  }
0x6a: {  	_ =	sdelay $0x1  }
0x6b: {  	s6 =	sadd.s32 $0x80, s6  }
0x6c: {  	s8 =	sand.u32 $0x70, s0;
	s7 =	sand.u32 $0x1C00, s6;
	s0 =	sadd.s32 $0x10, s0  }
0x6d: {  	s0 =	smov.u32 s14;
	s14 =	smov.u32 s8  }
.LBB2_13:
0x6e: {  	s4 =	sadd.s32 s7, s16;
	s0 =	sor.u32 @p4 s0, s13  }
0x6f: {  	s4 =	sadd.s32 s14, s4;
	[tilespmem:s0+$0x1C800] =	vst @p4 v0  }
0x70: {  	v0 =	vld [tilespmem:s4+$0x0];
	_ =	sdelay $0x6  }
0x71: {  	s8 =	simm.s32 $0x0  }
0x72: {  	p5 =	por $0x1, $0x1;
	v0 =	vld.idx.msk [tilespmem:v0+s8+$0x0], $0xffff  }
.Ltmp7:
0x73: {  	_ = 	snop;
	(pc) =	sbr.rel @!p5 .LBB2_17-.Ltmp7, $4  }
0x74: {  	_ = 	snop  }
0x75: {  	s30 =	sor.u32 s14, s7;
	s7 =	simm.s32 $0x10  }
0x76: {  	p6 =	por $0x0, $0x0;
	s6 =	sand.u32 $0x1C00, s8;
	s4 =	sand.u32 $0x70, s8  }
0x77: {  	p4 =	por $0x0, $0x0;
	s13 =	smov.u32 s6;
	s14 =	smov.u32 s4;
	[tilespmem:s30+$0x1C800] =	vst v0  }
0x78: {  	s0 =	sadd.s32 s6, s17  }
0x79: {  	s0 =	sadd.s32 s4, s0  }
0x7a: {  	v0 =	vld [tilespmem:s0+$0x0];
	_ =	sdelay $0x5  }
0x7b: {  	p2 =	por $0x1, $0x1  }
.Ltmp8:
0x7c: {  	_ = 	snop;
	(pc) =	sbr.rel @!p2 .LBB2_15-.Ltmp8, $4  }
0x7d: {  	v0 =	vld.idx.msk [tilespmem:v0+s8+$0x0], $0xffff  }
0x7e: {  	s11 =	simm.s32 $0x80  }
0x7f: {  	s14 =	sand.u32 $0x70, s7;
	p6 =	por $0x1, $0x1;
	s9 =	smov.u32 s6  }
0x80: {  	s12 =	smov.u32 s4;
	s13 =	sand.u32 $0x1C00, s11;
	s0 =	simm.s32 $0x20  }
.LBB2_16:
0x81: {  	p2 =	sne.s32 s0, $0x3F0;
	s30 =	sadd.s32 s13, s17;
	s9 =	sor.u32 s12, s9  }
0x82: {  	s12 =	smov.u32 s14;
	s30 =	sadd.s32 s14, s30;
	[tilespmem:s9+$0x1C880] =	vst v0;
	s9 =	smov.u32 s13  }
0x83: {  	v0 =	vld [tilespmem:s30+$0x0];
	_ =	sdelay $0x7  }
.Ltmp9:
0x84: {  	v0 =	vld.idx.msk [tilespmem:v0+s8+$0x0], $0xffff;
	(pc) =	sbr.rel @p2 .LBB2_16-.Ltmp9, $3  }
0x85: {  	_ =	sdelay $0x1  }
0x86: {  	s11 =	sadd.s32 $0x80, s11  }
0x87: {  	s14 =	sand.u32 $0x70, s0;
	s13 =	sand.u32 $0x1C00, s11;
	s0 =	sadd.s32 $0x10, s0  }
.LBB2_17:
0x88: {  	s0 =	sadd.s32 s13, s17;
	s9 =	sor.u32 @p6 s12, s9  }
0x89: {  	s0 =	sadd.s32 s14, s0;
	[tilespmem:s9+$0x1C880] =	vst @p6 v0  }
0x8a: {  	v0 =	vld [tilespmem:s0+$0x0];
	_ =	sdelay $0x7  }
0x8b: {  	v0 =	vld.idx.msk [tilespmem:v0+s8+$0x0], $0xffff  }
.Ltmp10:
0x8c: {  	_ = 	snop;
	(pc) =	sbr.rel @!p5 .LBB2_18-.Ltmp10, $3  }
0x8d: {  	_ =	sdelay $0x1  }
0x8e: {  	s30 =	sor.u32 s14, s13  }
0x8f: {  	[tilespmem:s30+$0x1C880] =	vst v0  }
0x90: {  	s0 =	sadd.s32 s6, s18  }
0x91: {  	s0 =	sadd.s32 s4, s0  }
0x92: {  	v0 =	vld [tilespmem:s0+$0x0];
	_ =	sdelay $0x5  }
0x93: {  	p2 =	por $0x1, $0x1  }
.Ltmp11:
0x94: {  	s8 =	simm.s32 $0x0;
	(pc) =	sbr.rel @!p2 .LBB2_20-.Ltmp11, $3  }
0x95: {  	v0 =	vld.idx.msk [tilespmem:v0+s8+$0x0], $0xffff;
	_ =	sdelay $0x1  }
0x96: {  	s9 =	simm.s32 $0x80;
	s11 =	sand.u32 $0x70, s7  }
0x97: {  	p4 =	por $0x1, $0x1;
	s7 =	sand.u32 $0x1C00, s9;
	s0 =	simm.s32 $0x20  }
.LBB2_21:
0x98: {  	p2 =	sne.s32 s0, $0x3F0;
	s12 =	sadd.s32 s7, s18;
	s4 =	sor.u32 s4, s6  }
0x99: {  	s6 =	smov.u32 s7;
	s12 =	sadd.s32 s11, s12;
	[tilespmem:s4+$0x1C900] =	vst v0;
	s4 =	smov.u32 s11  }
0x9a: {  	v0 =	vld [tilespmem:s12+$0x0];
	_ =	sdelay $0x7  }
.Ltmp12:
0x9b: {  	v0 =	vld.idx.msk [tilespmem:v0+s8+$0x0], $0xffff;
	(pc) =	sbr.rel @p2 .LBB2_21-.Ltmp12, $3  }
0x9c: {  	_ =	sdelay $0x1  }
0x9d: {  	s9 =	sadd.s32 $0x80, s9  }
0x9e: {  	s11 =	sand.u32 $0x70, s0;
	s7 =	sand.u32 $0x1C00, s9;
	s0 =	sadd.s32 $0x10, s0  }
0x9f: {  	s0 =	smov.u32 s4;
	s4 =	smov.u32 s11  }
.LBB2_23:
0xa0: {  	s8 =	sadd.s32 s7, s18;
	s0 =	sor.u32 @p4 s0, s6  }
0xa1: {  	s14 =	sadd.s32 s4, s8;
	[tilespmem:s0+$0x1C900] =	vst @p4 v0  }
0xa2: {  	v0 =	vld [tilespmem:s14+$0x0];
	_ =	sdelay $0x6  }
0xa3: {  	s8 =	simm.s32 $0x0  }
0xa4: {  	p5 =	por $0x1, $0x1;
	v0 =	vld.idx.msk [tilespmem:v0+s8+$0x0], $0xffff  }
.Ltmp13:
0xa5: {  	_ = 	snop;
	(pc) =	sbr.rel @!p5 .LBB2_27-.Ltmp13, $4  }
0xa6: {  	_ = 	snop  }
0xa7: {  	s30 =	sor.u32 s4, s7;
	s7 =	simm.s32 $0x10  }
0xa8: {  	p6 =	por $0x0, $0x0;
	s4 =	sand.u32 $0x70, s8;
	s6 =	sand.u32 $0x1C00, s8  }
0xa9: {  	p4 =	por $0x0, $0x0;
	s13 =	smov.u32 s6;
	s14 =	smov.u32 s4;
	[tilespmem:s30+$0x1C900] =	vst v0  }
0xaa: {  	s0 =	sadd.s32 s6, s19  }
0xab: {  	s0 =	sadd.s32 s4, s0  }
0xac: {  	v0 =	vld [tilespmem:s0+$0x0];
	_ =	sdelay $0x5  }
0xad: {  	p2 =	por $0x1, $0x1  }
.Ltmp14:
0xae: {  	_ = 	snop;
	(pc) =	sbr.rel @!p2 .LBB2_25-.Ltmp14, $4  }
0xaf: {  	v0 =	vld.idx.msk [tilespmem:v0+s8+$0x0], $0xffff  }
0xb0: {  	s11 =	simm.s32 $0x80  }
0xb1: {  	s14 =	sand.u32 $0x70, s7;
	p6 =	por $0x1, $0x1;
	s9 =	smov.u32 s6  }
0xb2: {  	s12 =	smov.u32 s4;
	s13 =	sand.u32 $0x1C00, s11;
	s0 =	simm.s32 $0x20  }
.LBB2_26:
0xb3: {  	p2 =	sne.s32 s0, $0x3F0;
	s30 =	sadd.s32 s13, s19;
	s9 =	sor.u32 s12, s9  }
0xb4: {  	s12 =	smov.u32 s14;
	s30 =	sadd.s32 s14, s30;
	[tilespmem:s9+$0x1C980] =	vst v0;
	s9 =	smov.u32 s13  }
0xb5: {  	v0 =	vld [tilespmem:s30+$0x0];
	_ =	sdelay $0x7  }
.Ltmp15:
0xb6: {  	v0 =	vld.idx.msk [tilespmem:v0+s8+$0x0], $0xffff;
	(pc) =	sbr.rel @p2 .LBB2_26-.Ltmp15, $3  }
0xb7: {  	_ =	sdelay $0x1  }
0xb8: {  	s11 =	sadd.s32 $0x80, s11  }
0xb9: {  	s14 =	sand.u32 $0x70, s0;
	s13 =	sand.u32 $0x1C00, s11;
	s0 =	sadd.s32 $0x10, s0  }
.LBB2_27:
0xba: {  	s0 =	sadd.s32 s13, s19;
	s9 =	sor.u32 @p6 s12, s9  }
0xbb: {  	s0 =	sadd.s32 s14, s0;
	[tilespmem:s9+$0x1C980] =	vst @p6 v0  }
0xbc: {  	v0 =	vld [tilespmem:s0+$0x0];
	_ =	sdelay $0x7  }
0xbd: {  	v0 =	vld.idx.msk [tilespmem:v0+s8+$0x0], $0xffff  }
.Ltmp16:
0xbe: {  	_ = 	snop;
	(pc) =	sbr.rel @!p5 .LBB2_28-.Ltmp16, $3  }
0xbf: {  	_ =	sdelay $0x1  }
0xc0: {  	s30 =	sor.u32 s14, s13  }
0xc1: {  	[tilespmem:s30+$0x1C980] =	vst v0  }
0xc2: {  	s0 =	sadd.s32 s6, s20  }
0xc3: {  	s0 =	sadd.s32 s4, s0  }
0xc4: {  	v0 =	vld [tilespmem:s0+$0x0];
	_ =	sdelay $0x5  }
0xc5: {  	p2 =	por $0x1, $0x1  }
.Ltmp17:
0xc6: {  	s8 =	simm.s32 $0x0;
	(pc) =	sbr.rel @!p2 .LBB2_30-.Ltmp17, $3  }
0xc7: {  	v0 =	vld.idx.msk [tilespmem:v0+s8+$0x0], $0xffff;
	_ =	sdelay $0x1  }
0xc8: {  	s9 =	simm.s32 $0x80;
	s11 =	sand.u32 $0x70, s7  }
0xc9: {  	p4 =	por $0x1, $0x1;
	s7 =	sand.u32 $0x1C00, s9;
	s0 =	simm.s32 $0x20  }
.LBB2_31:
0xca: {  	p2 =	sne.s32 s0, $0x3F0;
	s12 =	sadd.s32 s7, s20;
	s4 =	sor.u32 s4, s6  }
0xcb: {  	s6 =	smov.u32 s7;
	s12 =	sadd.s32 s11, s12;
	[tilespmem:s4+$0x1CA00] =	vst v0;
	s4 =	smov.u32 s11  }
0xcc: {  	v0 =	vld [tilespmem:s12+$0x0];
	_ =	sdelay $0x7  }
.Ltmp18:
0xcd: {  	v0 =	vld.idx.msk [tilespmem:v0+s8+$0x0], $0xffff;
	(pc) =	sbr.rel @p2 .LBB2_31-.Ltmp18, $3  }
0xce: {  	_ =	sdelay $0x1  }
0xcf: {  	s9 =	sadd.s32 $0x80, s9  }
0xd0: {  	s11 =	sand.u32 $0x70, s0;
	s7 =	sand.u32 $0x1C00, s9;
	s0 =	sadd.s32 $0x10, s0  }
0xd1: {  	s0 =	smov.u32 s4;
	s4 =	smov.u32 s11  }
.LBB2_33:
0xd2: {  	s8 =	sadd.s32 s7, s20;
	s0 =	sor.u32 @p4 s0, s6  }
0xd3: {  	s14 =	sadd.s32 s4, s8;
	[tilespmem:s0+$0x1CA00] =	vst @p4 v0  }
0xd4: {  	v0 =	vld [tilespmem:s14+$0x0];
	_ =	sdelay $0x6  }
0xd5: {  	s6 =	simm.s32 $0x0  }
0xd6: {  	p2 =	por $0x1, $0x1;
	v0 =	vld.idx.msk [tilespmem:v0+s6+$0x0], $0xffff  }
.Ltmp19:
0xd7: {  	_ = 	snop;
	(pc) =	sbr.rel @!p2 .LBB2_37-.Ltmp19, $4  }
0xd8: {  	_ = 	snop  }
0xd9: {  	s30 =	sor.u32 s4, s7  }
0xda: {  	s7 =	sand.u32 $0x70, s6;
	s8 =	sand.u32 $0x1C00, s6;
	s4 =	simm.s32 $0x10  }
0xdb: {  	p4 =	por $0x0, $0x0;
	s13 =	smov.u32 s8;
	s14 =	smov.u32 s7;
	[tilespmem:s30+$0x1CA00] =	vst v0  }
0xdc: {  	s0 =	sadd.s32 s8, s21  }
0xdd: {  	s0 =	sadd.s32 s7, s0  }
0xde: {  	v0 =	vld [tilespmem:s0+$0x0];
	_ =	sdelay $0x5  }
0xdf: {  	p2 =	por $0x1, $0x1  }
.Ltmp20:
0xe0: {  	_ = 	snop;
	(pc) =	sbr.rel @!p2 .LBB2_35-.Ltmp20, $4  }
0xe1: {  	v0 =	vld.idx.msk [tilespmem:v0+s2+$0x0], $0xffff  }
0xe2: {  	s11 =	simm.s32 $0x80  }
0xe3: {  	s14 =	sand.u32 $0x70, s4;
	p4 =	por $0x1, $0x1;
	s9 =	smov.u32 s8  }
0xe4: {  	s12 =	smov.u32 s7;
	s13 =	sand.u32 $0x1C00, s11;
	s0 =	simm.s32 $0x20  }
.LBB2_36:
0xe5: {  	p2 =	sne.s32 s0, $0x3F0;
	s30 =	sadd.s32 s13, s21;
	s9 =	sor.u32 s12, s9  }
0xe6: {  	s12 =	smov.u32 s14;
	s30 =	sadd.s32 s14, s30;
	[tilespmem:s9+$0x1CA80] =	vst v0;
	s9 =	smov.u32 s13  }
0xe7: {  	v0 =	vld [tilespmem:s30+$0x0];
	_ =	sdelay $0x7  }
.Ltmp21:
0xe8: {  	v0 =	vld.idx.msk [tilespmem:v0+s2+$0x0], $0xffff;
	(pc) =	sbr.rel @p2 .LBB2_36-.Ltmp21, $3  }
0xe9: {  	_ =	sdelay $0x1  }
0xea: {  	s11 =	sadd.s32 $0x80, s11  }
0xeb: {  	s14 =	sand.u32 $0x70, s0;
	s13 =	sand.u32 $0x1C00, s11;
	s0 =	sadd.s32 $0x10, s0  }
.LBB2_37:
0xec: {  	s0 =	sadd.s32 s13, s21;
	s9 =	sor.u32 @p4 s12, s9  }
0xed: {  	s0 =	sadd.s32 s14, s0;
	[tilespmem:s9+$0x1CA80] =	vst @p4 v0  }
0xee: {  	v0 =	vld [tilespmem:s0+$0x0];
	_ =	sdelay $0x7  }
0xef: {  	v0 =	vld.idx.msk [tilespmem:v0+s2+$0x0], $0xffff;
	_ =	sdelay $0x3  }
0xf0: {  	s12 =	sor.u32 s14, s13  }
0xf1: {  	s13 =	rddreg [dreg:$0x6];
	s11 =	simm.s32 @!p0 $0x0;
	[tilespmem:s12+$0x1CA80] =	vst v0  }
0xf2: {  	[hbm4b:s13+s2] =	stream.linear.scatter [tilespmem:s31], [sflag:$0x3], $0x2000, $0x38;
	[tilespmem:$0x1E700] =	vst v63  }
0xf3: {  	s9 =	simm.s32 @!p0 $0x400;
	s0 =	simm.s32 @!p0 $0x80;
	s12 =	rddreg [dreg:$0x7]  }
0xf4: {  	[tilespmem:s11], [sflag:$0x4] =	stream.strided.gather @!p0 [hbm4b:s12+s0], $0x18700, s9, s0, $0x38;
	[tilespmem:$0x1E700] =	vst v63  }
0xf5: {  	s0 =	simm.s32 @!p0 $0x4  }
0xf6: {  	_ =	swait.ge @!p0 [sflag:s0], $0x18700  }
0xf7: {  	s14 =	sld [smem:$0x7FD];
	_ =	sdelay $0x2  }
0xf8: {  	[sflag:s0] =	ssyncset.done @!p0 $0x0;
	s11 =	rddreg [dreg:$0x8];
	p2 =	seq.s32 s14, $0x1  }
0xf9: {  	[sflag:s0] =	ssyncadd.s32 @!p0 $0xFFFE7900;
	s0 =	simm.s32 @!p2 $0x0;
	s9 =	simm.s32 @!p2 $0x18700  }
0xfa: {  	[tilespmem:s9], [sflag:$0x4] =	stream.linear.gather @!p2 [hbm4b:s11+s0], $0x4000, $0x38;
	[tilespmem:$0x1E700] =	vst v63  }
0xfb: {  	s0 =	simm.s32 @!p2 $0x4  }
0xfc: {  	_ =	swait.ge @!p2 [sflag:s0], $0x4000  }
0xfd: {  	[sflag:s0] =	ssyncset.done @!p2 $0x0  }
0xfe: {  	[sflag:s0] =	ssyncadd.s32 @!p2 $0xFFFFC000  }
0xff: {  	_ =	swait.ge [sflag:s1], $0x2000  }
0x100: {  	s30 =	sadd.s32 s8, s10;
	[sflag:s1] =	ssyncset.done $0x0  }
0x101: {  	s0 =	sadd.s32 s7, s30;
	[sflag:s1] =	ssyncadd.s32 $0xFFFFE000  }
0x102: {  	v0 =	vld [tilespmem:s0+$0x0];
	_ =	sdelay $0x7  }
0x103: {  	v0 =	vld.idx.msk [tilespmem:v0+s6+$0x0], $0xffff;
	_ =	sdelay $0x1  }
0x104: {  	s9 =	simm.s32 $0x80  }
0x105: {  	s11 =	sand.u32 $0x70, s4;
	s12 =	sand.u32 $0x1C00, s9;
	s0 =	simm.s32 $0x20  }
.LBB2_38:
0x106: {  	p2 =	sne.s32 s0, $0x3F0;
	s13 =	sadd.s32 s12, s10;
	s7 =	sor.u32 s7, s8  }
0x107: {  	s8 =	smov.u32 s12;
	s13 =	sadd.s32 s11, s13;
	[tilespmem:s7+$0x1C700] =	vst v0;
	s7 =	smov.u32 s11  }
0x108: {  	v0 =	vld [tilespmem:s13+$0x0];
	_ =	sdelay $0x7  }
.Ltmp22:
0x109: {  	v0 =	vld.idx.msk [tilespmem:v0+s6+$0x0], $0xffff;
	(pc) =	sbr.rel @p2 .LBB2_38-.Ltmp22, $3  }
0x10a: {  	_ =	sdelay $0x1  }
0x10b: {  	s9 =	sadd.s32 $0x80, s9  }
0x10c: {  	s11 =	sand.u32 $0x70, s0;
	s12 =	sand.u32 $0x1C00, s9;
	s0 =	sadd.s32 $0x10, s0  }
0x10d: {  	s0 =	sadd.s32 s12, s10;
	s7 =	sor.u32 s7, s8  }
0x10e: {  	s0 =	sadd.s32 s11, s0;
	[tilespmem:s7+$0x1C700] =	vst v0  }
0x10f: {  	v0 =	vld [tilespmem:s0+$0x0];
	_ =	sdelay $0x7  }
0x110: {  	v0 =	vld.idx.msk [tilespmem:v0+s6+$0x0], $0xffff;
	_ =	sdelay $0x2  }
0x111: {  	s7 =	sand.u32 $0x1C00, s6  }
0x112: {  	s13 =	sor.u32 s11, s12;
	s14 =	sadd.s32 s7, s22;
	s6 =	sand.u32 $0x70, s6  }
0x113: {  	s30 =	sadd.s32 s6, s14;
	[tilespmem:s13+$0x1C700] =	vst v0  }
0x114: {  	v0 =	vld [tilespmem:s30+$0x0];
	_ =	sdelay $0x6  }
0x115: {  	s8 =	simm.s32 $0x0  }
0x116: {  	v0 =	vld.idx.msk [tilespmem:v0+s8+$0x0], $0xffff;
	_ =	sdelay $0x1  }
0x117: {  	s9 =	simm.s32 $0x80  }
0x118: {  	s4 =	sand.u32 $0x70, s4;
	s11 =	sand.u32 $0x1C00, s9;
	s0 =	simm.s32 $0x20  }
.LBB2_40:
0x119: {  	p2 =	sne.s32 s0, $0x3F0;
	s12 =	sadd.s32 s11, s22;
	s6 =	sor.u32 s6, s7  }
0x11a: {  	s7 =	smov.u32 s11;
	s12 =	sadd.s32 s4, s12;
	[tilespmem:s6+$0x1C780] =	vst v0;
	s6 =	smov.u32 s4  }
0x11b: {  	v0 =	vld [tilespmem:s12+$0x0];
	_ =	sdelay $0x7  }
.Ltmp23:
0x11c: {  	v0 =	vld.idx.msk [tilespmem:v0+s8+$0x0], $0xffff;
	(pc) =	sbr.rel @p2 .LBB2_40-.Ltmp23, $3  }
0x11d: {  	_ =	sdelay $0x1  }
0x11e: {  	s9 =	sadd.s32 $0x80, s9  }
0x11f: {  	s4 =	sand.u32 $0x70, s0;
	s11 =	sand.u32 $0x1C00, s9;
	s0 =	sadd.s32 $0x10, s0  }
0x120: {  	s0 =	sadd.s32 s11, s22;
	s6 =	sor.u32 s6, s7  }
0x121: {  	s0 =	sadd.s32 s4, s0;
	[tilespmem:s6+$0x1C780] =	vst v0  }
0x122: {  	v0 =	vld [tilespmem:s0+$0x0];
	_ =	sdelay $0x6  }
0x123: {  	s8 =	simm.s32 $0x0  }
0x124: {  	p5 =	por $0x1, $0x1;
	v0 =	vld.idx.msk [tilespmem:v0+s8+$0x0], $0xffff  }
.Ltmp24:
0x125: {  	_ = 	snop;
	(pc) =	sbr.rel @!p5 .LBB2_45-.Ltmp24, $4  }
0x126: {  	_ = 	snop  }
0x127: {  	s30 =	sor.u32 s4, s11;
	s7 =	simm.s32 $0x10  }
0x128: {  	p4 =	por $0x0, $0x0;
	s4 =	sand.u32 $0x70, s8;
	s6 =	sand.u32 $0x1C00, s8  }
0x129: {  	p6 =	por $0x0, $0x0;
	s13 =	smov.u32 s6;
	s14 =	smov.u32 s4;
	[tilespmem:s30+$0x1C780] =	vst v0  }
0x12a: {  	s0 =	sadd.s32 s6, s23  }
0x12b: {  	s0 =	sadd.s32 s4, s0  }
0x12c: {  	v0 =	vld [tilespmem:s0+$0x0];
	_ =	sdelay $0x5  }
0x12d: {  	p2 =	por $0x1, $0x1  }
.Ltmp25:
0x12e: {  	_ = 	snop;
	(pc) =	sbr.rel @!p2 .LBB2_43-.Ltmp25, $4  }
0x12f: {  	v0 =	vld.idx.msk [tilespmem:v0+s8+$0x0], $0xffff  }
0x130: {  	s11 =	simm.s32 $0x80  }
0x131: {  	s14 =	sand.u32 $0x70, s7;
	p6 =	por $0x1, $0x1;
	s9 =	smov.u32 s6  }
0x132: {  	s12 =	smov.u32 s4;
	s13 =	sand.u32 $0x1C00, s11;
	s0 =	simm.s32 $0x20  }
.LBB2_44:
0x133: {  	p2 =	sne.s32 s0, $0x3F0;
	s30 =	sadd.s32 s13, s23;
	s9 =	sor.u32 s12, s9  }
0x134: {  	s12 =	smov.u32 s14;
	s30 =	sadd.s32 s14, s30;
	[tilespmem:s9+$0x1C800] =	vst v0;
	s9 =	smov.u32 s13  }
0x135: {  	v0 =	vld [tilespmem:s30+$0x0];
	_ =	sdelay $0x7  }
.Ltmp26:
0x136: {  	v0 =	vld.idx.msk [tilespmem:v0+s8+$0x0], $0xffff;
	(pc) =	sbr.rel @p2 .LBB2_44-.Ltmp26, $3  }
0x137: {  	_ =	sdelay $0x1  }
0x138: {  	s11 =	sadd.s32 $0x80, s11  }
0x139: {  	s14 =	sand.u32 $0x70, s0;
	s13 =	sand.u32 $0x1C00, s11;
	s0 =	sadd.s32 $0x10, s0  }
.LBB2_45:
0x13a: {  	s0 =	sadd.s32 s13, s23;
	s9 =	sor.u32 @p6 s12, s9  }
0x13b: {  	s0 =	sadd.s32 s14, s0;
	[tilespmem:s9+$0x1C800] =	vst @p6 v0  }
0x13c: {  	v0 =	vld [tilespmem:s0+$0x0];
	_ =	sdelay $0x7  }
0x13d: {  	v0 =	vld.idx.msk [tilespmem:v0+s8+$0x0], $0xffff  }
.Ltmp27:
0x13e: {  	_ = 	snop;
	(pc) =	sbr.rel @!p5 .LBB2_46-.Ltmp27, $3  }
0x13f: {  	_ =	sdelay $0x1  }
0x140: {  	s30 =	sor.u32 s14, s13  }
0x141: {  	[tilespmem:s30+$0x1C800] =	vst v0  }
0x142: {  	s0 =	sadd.s32 s6, s24  }
0x143: {  	s0 =	sadd.s32 s4, s0  }
0x144: {  	v0 =	vld [tilespmem:s0+$0x0];
	_ =	sdelay $0x5  }
0x145: {  	p2 =	por $0x1, $0x1  }
.Ltmp28:
0x146: {  	s8 =	simm.s32 $0x0;
	(pc) =	sbr.rel @!p2 .LBB2_48-.Ltmp28, $3  }
0x147: {  	v0 =	vld.idx.msk [tilespmem:v0+s8+$0x0], $0xffff;
	_ =	sdelay $0x1  }
0x148: {  	s9 =	simm.s32 $0x80;
	s11 =	sand.u32 $0x70, s7  }
0x149: {  	p4 =	por $0x1, $0x1;
	s7 =	sand.u32 $0x1C00, s9;
	s0 =	simm.s32 $0x20  }
.LBB2_49:
0x14a: {  	p2 =	sne.s32 s0, $0x3F0;
	s12 =	sadd.s32 s7, s24;
	s4 =	sor.u32 s4, s6  }
0x14b: {  	s6 =	smov.u32 s7;
	s12 =	sadd.s32 s11, s12;
	[tilespmem:s4+$0x1C880] =	vst v0;
	s4 =	smov.u32 s11  }
0x14c: {  	v0 =	vld [tilespmem:s12+$0x0];
	_ =	sdelay $0x7  }
.Ltmp29:
0x14d: {  	v0 =	vld.idx.msk [tilespmem:v0+s8+$0x0], $0xffff;
	(pc) =	sbr.rel @p2 .LBB2_49-.Ltmp29, $3  }
0x14e: {  	_ =	sdelay $0x1  }
0x14f: {  	s9 =	sadd.s32 $0x80, s9  }
0x150: {  	s11 =	sand.u32 $0x70, s0;
	s7 =	sand.u32 $0x1C00, s9;
	s0 =	sadd.s32 $0x10, s0  }
0x151: {  	s0 =	smov.u32 s4;
	s4 =	smov.u32 s11  }
.LBB2_51:
0x152: {  	s8 =	sadd.s32 s7, s24;
	s0 =	sor.u32 @p4 s0, s6  }
0x153: {  	s14 =	sadd.s32 s4, s8;
	[tilespmem:s0+$0x1C880] =	vst @p4 v0  }
0x154: {  	v0 =	vld [tilespmem:s14+$0x0];
	_ =	sdelay $0x6  }
0x155: {  	s8 =	simm.s32 $0x0  }
0x156: {  	p5 =	por $0x1, $0x1;
	v0 =	vld.idx.msk [tilespmem:v0+s8+$0x0], $0xffff  }
.Ltmp30:
0x157: {  	_ = 	snop;
	(pc) =	sbr.rel @!p5 .LBB2_55-.Ltmp30, $4  }
0x158: {  	_ = 	snop  }
0x159: {  	s30 =	sor.u32 s4, s7;
	s7 =	simm.s32 $0x10  }
0x15a: {  	p6 =	por $0x0, $0x0;
	s4 =	sand.u32 $0x70, s8;
	s6 =	sand.u32 $0x1C00, s8  }
0x15b: {  	p4 =	por $0x0, $0x0;
	s13 =	smov.u32 s6;
	s14 =	smov.u32 s4;
	[tilespmem:s30+$0x1C880] =	vst v0  }
0x15c: {  	s0 =	sadd.s32 s6, s25  }
0x15d: {  	s0 =	sadd.s32 s4, s0  }
0x15e: {  	v0 =	vld [tilespmem:s0+$0x0];
	_ =	sdelay $0x5  }
0x15f: {  	p2 =	por $0x1, $0x1  }
.Ltmp31:
0x160: {  	_ = 	snop;
	(pc) =	sbr.rel @!p2 .LBB2_53-.Ltmp31, $4  }
0x161: {  	v0 =	vld.idx.msk [tilespmem:v0+s8+$0x0], $0xffff  }
0x162: {  	s11 =	simm.s32 $0x80  }
0x163: {  	s14 =	sand.u32 $0x70, s7;
	p6 =	por $0x1, $0x1;
	s9 =	smov.u32 s6  }
0x164: {  	s12 =	smov.u32 s4;
	s13 =	sand.u32 $0x1C00, s11;
	s0 =	simm.s32 $0x20  }
.LBB2_54:
0x165: {  	p2 =	sne.s32 s0, $0x3F0;
	s30 =	sadd.s32 s13, s25;
	s9 =	sor.u32 s12, s9  }
0x166: {  	s12 =	smov.u32 s14;
	s30 =	sadd.s32 s14, s30;
	[tilespmem:s9+$0x1C900] =	vst v0;
	s9 =	smov.u32 s13  }
0x167: {  	v0 =	vld [tilespmem:s30+$0x0];
	_ =	sdelay $0x7  }
.Ltmp32:
0x168: {  	v0 =	vld.idx.msk [tilespmem:v0+s8+$0x0], $0xffff;
	(pc) =	sbr.rel @p2 .LBB2_54-.Ltmp32, $3  }
0x169: {  	_ =	sdelay $0x1  }
0x16a: {  	s11 =	sadd.s32 $0x80, s11  }
0x16b: {  	s14 =	sand.u32 $0x70, s0;
	s13 =	sand.u32 $0x1C00, s11;
	s0 =	sadd.s32 $0x10, s0  }
.LBB2_55:
0x16c: {  	s0 =	sadd.s32 s13, s25;
	s9 =	sor.u32 @p6 s12, s9  }
0x16d: {  	s0 =	sadd.s32 s14, s0;
	[tilespmem:s9+$0x1C900] =	vst @p6 v0  }
0x16e: {  	v0 =	vld [tilespmem:s0+$0x0];
	_ =	sdelay $0x7  }
0x16f: {  	v0 =	vld.idx.msk [tilespmem:v0+s8+$0x0], $0xffff  }
.Ltmp33:
0x170: {  	_ = 	snop;
	(pc) =	sbr.rel @!p5 .LBB2_56-.Ltmp33, $3  }
0x171: {  	_ =	sdelay $0x1  }
0x172: {  	s30 =	sor.u32 s14, s13  }
0x173: {  	[tilespmem:s30+$0x1C900] =	vst v0  }
0x174: {  	s0 =	sadd.s32 s6, s26  }
0x175: {  	s0 =	sadd.s32 s4, s0  }
0x176: {  	v0 =	vld [tilespmem:s0+$0x0];
	_ =	sdelay $0x5  }
0x177: {  	p2 =	por $0x1, $0x1  }
.Ltmp34:
0x178: {  	s8 =	simm.s32 $0x0;
	(pc) =	sbr.rel @!p2 .LBB2_58-.Ltmp34, $3  }
0x179: {  	v0 =	vld.idx.msk [tilespmem:v0+s8+$0x0], $0xffff;
	_ =	sdelay $0x1  }
0x17a: {  	s9 =	simm.s32 $0x80;
	s11 =	sand.u32 $0x70, s7  }
0x17b: {  	p4 =	por $0x1, $0x1;
	s7 =	sand.u32 $0x1C00, s9;
	s0 =	simm.s32 $0x20  }
.LBB2_59:
0x17c: {  	p2 =	sne.s32 s0, $0x3F0;
	s12 =	sadd.s32 s7, s26;
	s4 =	sor.u32 s4, s6  }
0x17d: {  	s6 =	smov.u32 s7;
	s12 =	sadd.s32 s11, s12;
	[tilespmem:s4+$0x1C980] =	vst v0;
	s4 =	smov.u32 s11  }
0x17e: {  	v0 =	vld [tilespmem:s12+$0x0];
	_ =	sdelay $0x7  }
.Ltmp35:
0x17f: {  	v0 =	vld.idx.msk [tilespmem:v0+s8+$0x0], $0xffff;
	(pc) =	sbr.rel @p2 .LBB2_59-.Ltmp35, $3  }
0x180: {  	_ =	sdelay $0x1  }
0x181: {  	s9 =	sadd.s32 $0x80, s9  }
0x182: {  	s11 =	sand.u32 $0x70, s0;
	s7 =	sand.u32 $0x1C00, s9;
	s0 =	sadd.s32 $0x10, s0  }
0x183: {  	s0 =	smov.u32 s4;
	s4 =	smov.u32 s11  }
.LBB2_61:
0x184: {  	s8 =	sadd.s32 s7, s26;
	s0 =	sor.u32 @p4 s0, s6  }
0x185: {  	s14 =	sadd.s32 s4, s8;
	[tilespmem:s0+$0x1C980] =	vst @p4 v0  }
0x186: {  	v0 =	vld [tilespmem:s14+$0x0];
	_ =	sdelay $0x6  }
0x187: {  	s8 =	simm.s32 $0x0  }
0x188: {  	p5 =	por $0x1, $0x1;
	v0 =	vld.idx.msk [tilespmem:v0+s8+$0x0], $0xffff  }
.Ltmp36:
0x189: {  	_ = 	snop;
	(pc) =	sbr.rel @!p5 .LBB2_65-.Ltmp36, $4  }
0x18a: {  	_ = 	snop  }
0x18b: {  	s30 =	sor.u32 s4, s7;
	s7 =	simm.s32 $0x10  }
0x18c: {  	p6 =	por $0x0, $0x0;
	s4 =	sand.u32 $0x70, s8;
	s6 =	sand.u32 $0x1C00, s8  }
0x18d: {  	p4 =	por $0x0, $0x0;
	s13 =	smov.u32 s6;
	s14 =	smov.u32 s4;
	[tilespmem:s30+$0x1C980] =	vst v0  }
0x18e: {  	s0 =	sadd.s32 s6, s28  }
0x18f: {  	s0 =	sadd.s32 s4, s0  }
0x190: {  	v0 =	vld [tilespmem:s0+$0x0];
	_ =	sdelay $0x5  }
0x191: {  	p2 =	por $0x1, $0x1  }
.Ltmp37:
0x192: {  	_ = 	snop;
	(pc) =	sbr.rel @!p2 .LBB2_63-.Ltmp37, $4  }
0x193: {  	v0 =	vld.idx.msk [tilespmem:v0+s8+$0x0], $0xffff  }
0x194: {  	s11 =	simm.s32 $0x80  }
0x195: {  	s14 =	sand.u32 $0x70, s7;
	p6 =	por $0x1, $0x1;
	s9 =	smov.u32 s6  }
0x196: {  	s12 =	smov.u32 s4;
	s13 =	sand.u32 $0x1C00, s11;
	s0 =	simm.s32 $0x20  }
.LBB2_64:
0x197: {  	p2 =	sne.s32 s0, $0x3F0;
	s30 =	sadd.s32 s13, s28;
	s9 =	sor.u32 s12, s9  }
0x198: {  	s12 =	smov.u32 s14;
	s30 =	sadd.s32 s14, s30;
	[tilespmem:s9+$0x1CA00] =	vst v0;
	s9 =	smov.u32 s13  }
0x199: {  	v0 =	vld [tilespmem:s30+$0x0];
	_ =	sdelay $0x7  }
.Ltmp38:
0x19a: {  	v0 =	vld.idx.msk [tilespmem:v0+s8+$0x0], $0xffff;
	(pc) =	sbr.rel @p2 .LBB2_64-.Ltmp38, $3  }
0x19b: {  	_ =	sdelay $0x1  }
0x19c: {  	s11 =	sadd.s32 $0x80, s11  }
0x19d: {  	s14 =	sand.u32 $0x70, s0;
	s13 =	sand.u32 $0x1C00, s11;
	s0 =	sadd.s32 $0x10, s0  }
.LBB2_65:
0x19e: {  	s0 =	sadd.s32 s13, s28;
	s9 =	sor.u32 @p6 s12, s9  }
0x19f: {  	s0 =	sadd.s32 s14, s0;
	[tilespmem:s9+$0x1CA00] =	vst @p6 v0  }
0x1a0: {  	v0 =	vld [tilespmem:s0+$0x0];
	_ =	sdelay $0x7  }
0x1a1: {  	v0 =	vld.idx.msk [tilespmem:v0+s8+$0x0], $0xffff  }
.Ltmp39:
0x1a2: {  	_ = 	snop;
	(pc) =	sbr.rel @!p5 .LBB2_66-.Ltmp39, $3  }
0x1a3: {  	_ =	sdelay $0x1  }
0x1a4: {  	s30 =	sor.u32 s14, s13  }
0x1a5: {  	[tilespmem:s30+$0x1CA00] =	vst v0  }
0x1a6: {  	s0 =	sadd.s32 s6, s29  }
0x1a7: {  	s0 =	sadd.s32 s4, s0  }
0x1a8: {  	v0 =	vld [tilespmem:s0+$0x0];
	_ =	sdelay $0x5  }
0x1a9: {  	p2 =	por $0x1, $0x1  }
.Ltmp40:
0x1aa: {  	_ = 	snop;
	(pc) =	sbr.rel @!p2 .LBB2_68-.Ltmp40, $3  }
0x1ab: {  	v0 =	vld.idx.msk [tilespmem:v0+s2+$0x0], $0xffff;
	_ =	sdelay $0x1  }
0x1ac: {  	s8 =	simm.s32 $0x80;
	s9 =	sand.u32 $0x70, s7  }
0x1ad: {  	s7 =	simm.s32 $0x20;
	p4 =	por $0x1, $0x1;
	s0 =	sand.u32 $0x1C00, s8  }
.LBB2_69:
0x1ae: {  	p2 =	sne.s32 s7, $0x3F0;
	s11 =	sadd.s32 s0, s29;
	s4 =	sor.u32 s4, s6  }
0x1af: {  	s6 =	smov.u32 s0;
	s11 =	sadd.s32 s9, s11;
	[tilespmem:s4+$0x1CA80] =	vst v0;
	s4 =	smov.u32 s9  }
0x1b0: {  	v0 =	vld [tilespmem:s11+$0x0];
	_ =	sdelay $0x7  }
.Ltmp41:
0x1b1: {  	v0 =	vld.idx.msk [tilespmem:v0+s2+$0x0], $0xffff;
	(pc) =	sbr.rel @p2 .LBB2_69-.Ltmp41, $3  }
0x1b2: {  	_ =	sdelay $0x1  }
0x1b3: {  	s8 =	sadd.s32 $0x80, s8  }
0x1b4: {  	s9 =	sand.u32 $0x70, s7;
	s0 =	sand.u32 $0x1C00, s8;
	s7 =	sadd.s32 $0x10, s7  }
0x1b5: {  	s7 =	smov.u32 s4;
	s4 =	smov.u32 s9  }
.LBB2_71:
0x1b6: {  	s8 =	sadd.s32 s0, s29;
	s6 =	sor.u32 @p4 s7, s6  }
0x1b7: {  	s12 =	sadd.s32 s4, s8;
	[tilespmem:s6+$0x1CA80] =	vst @p4 v0  }
0x1b8: {  	v0 =	vld [tilespmem:s12+$0x0];
	_ =	sdelay $0x7  }
0x1b9: {  	v0 =	vld.idx.msk [tilespmem:v0+s2+$0x0], $0xffff;
	_ =	sdelay $0x3  }
0x1ba: {  	s13 =	sor.u32 s4, s0  }
0x1bb: {  	s14 =	rddreg [dreg:$0x9];
	s0 =	simm.s32 @!p1 $0x80;
	[tilespmem:s13+$0x1CA80] =	vst v0  }
0x1bc: {  	[hbm4b:s14+s2] =	stream.linear.scatter [tilespmem:s31], [sflag:$0x3], $0x2000, $0x38;
	[tilespmem:$0x1E700] =	vst v63  }
0x1bd: {  	s7 =	rddreg [dreg:$0xa];
	s4 =	simm.s32 @!p1 $0x400;
	s6 =	simm.s32 @!p1 $0x0  }
0x1be: {  	[tilespmem:s6], [sflag:$0x4] =	stream.strided.gather @!p1 [hbm4b:s7+s0], $0x18700, s4, s0, $0x38;
	[tilespmem:$0x1E700] =	vst v63  }
0x1bf: {  	s0 =	simm.s32 @!p1 $0x4  }
0x1c0: {  	_ =	swait.ge @!p1 [sflag:s0], $0x18700  }
0x1c1: {  	s4 =	simm.s32 @!p3 $0x18700;
	[sflag:s0] =	ssyncset.done @!p1 $0x0  }
0x1c2: {  	s6 =	rddreg [dreg:$0xb];
	[sflag:s0] =	ssyncadd.s32 @!p1 $0xFFFE7900;
	s0 =	simm.s32 @!p3 $0x0  }
0x1c3: {  	[tilespmem:s4], [sflag:$0x4] =	stream.linear.gather @!p3 [hbm4b:s6+s0], $0x4000, $0x38;
	[tilespmem:$0x1E700] =	vst v63  }
0x1c4: {  	s0 =	simm.s32 @!p3 $0x4  }
0x1c5: {  	_ =	swait.ge @!p3 [sflag:s0], $0x4000  }
0x1c6: {  	[sflag:s0] =	ssyncset.done @!p3 $0x0  }
0x1c7: {  	s7 =	simm.s32 $0x0;
	[sflag:s0] =	ssyncadd.s32 @!p3 $0xFFFFC000  }
0x1c8: {  	s4 =	sand.u32 $0x1C00, s7;
	_ =	swait.ge [sflag:s1], $0x2000  }
0x1c9: {  	s6 =	sand.u32 $0x70, s7;
	s30 =	sadd.s32 s4, s5;
	[sflag:s1] =	ssyncset.done $0x0  }
0x1ca: {  	s0 =	sadd.s32 s6, s30;
	[sflag:s1] =	ssyncadd.s32 $0xFFFFE000  }
0x1cb: {  	v0 =	vld [tilespmem:s0+$0x0];
	_ =	sdelay $0x7  }
0x1cc: {  	v0 =	vld.idx.msk [tilespmem:v0+s7+$0x0], $0xffff  }
0x1cd: {  	s9 =	simm.s32 $0x80;
	s8 =	simm.s32 $0x10  }
0x1ce: {  	s13 =	sand.u32 $0x70, s8;
	s14 =	sand.u32 $0x1C00, s9  }
0x1cf: {  	s11 =	smov.u32 s4;
	s12 =	smov.u32 s6;
	s0 =	simm.s32 $0x20  }
.LBB2_72:
0x1d0: {  	p2 =	sne.s32 s0, $0x3F0;
	s30 =	sadd.s32 s14, s5;
	s11 =	sor.u32 s12, s11  }
0x1d1: {  	s12 =	smov.u32 s13;
	s30 =	sadd.s32 s13, s30;
	[tilespmem:s11+$0x1C700] =	vst v0;
	s11 =	smov.u32 s14  }
0x1d2: {  	v0 =	vld [tilespmem:s30+$0x0];
	_ =	sdelay $0x7  }
.Ltmp42:
0x1d3: {  	v0 =	vld.idx.msk [tilespmem:v0+s7+$0x0], $0xffff;
	(pc) =	sbr.rel @p2 .LBB2_72-.Ltmp42, $3  }
0x1d4: {  	_ =	sdelay $0x1  }
0x1d5: {  	s9 =	sadd.s32 $0x80, s9  }
0x1d6: {  	s13 =	sand.u32 $0x70, s0;
	s14 =	sand.u32 $0x1C00, s9;
	s0 =	sadd.s32 $0x10, s0  }
0x1d7: {  	s0 =	sadd.s32 s14, s5;
	s9 =	sor.u32 s12, s11  }
0x1d8: {  	s0 =	sadd.s32 s13, s0;
	[tilespmem:s9+$0x1C700] =	vst v0  }
0x1d9: {  	v0 =	vld [tilespmem:s0+$0x0];
	_ =	sdelay $0x7  }
0x1da: {  	v0 =	vld.idx.msk [tilespmem:v0+s7+$0x0], $0xffff;
	_ =	sdelay $0x3  }
0x1db: {  	s13 =	sor.u32 s13, s14;
	s14 =	sadd.s32 s4, s15  }
0x1dc: {  	s30 =	sadd.s32 s6, s14;
	[tilespmem:s13+$0x1C700] =	vst v0  }
0x1dd: {  	v0 =	vld [tilespmem:s30+$0x0];
	_ =	sdelay $0x6  }
0x1de: {  	s7 =	simm.s32 $0x0  }
0x1df: {  	v0 =	vld.idx.msk [tilespmem:v0+s7+$0x0], $0xffff;
	_ =	sdelay $0x1  }
0x1e0: {  	s9 =	simm.s32 $0x80  }
0x1e1: {  	s11 =	sand.u32 $0x70, s8;
	s12 =	sand.u32 $0x1C00, s9;
	s0 =	simm.s32 $0x20  }
.LBB2_74:
0x1e2: {  	p2 =	sne.s32 s0, $0x3F0;
	s8 =	sadd.s32 s12, s15;
	s4 =	sor.u32 s6, s4  }
0x1e3: {  	s6 =	smov.u32 s11;
	s8 =	sadd.s32 s11, s8;
	[tilespmem:s4+$0x1C780] =	vst v0;
	s4 =	smov.u32 s12  }
0x1e4: {  	v0 =	vld [tilespmem:s8+$0x0];
	_ =	sdelay $0x7  }
.Ltmp43:
0x1e5: {  	v0 =	vld.idx.msk [tilespmem:v0+s7+$0x0], $0xffff;
	(pc) =	sbr.rel @p2 .LBB2_74-.Ltmp43, $3  }
0x1e6: {  	_ =	sdelay $0x1  }
0x1e7: {  	s9 =	sadd.s32 $0x80, s9  }
0x1e8: {  	s11 =	sand.u32 $0x70, s0;
	s12 =	sand.u32 $0x1C00, s9;
	s0 =	sadd.s32 $0x10, s0  }
0x1e9: {  	s0 =	sadd.s32 s12, s15;
	s4 =	sor.u32 s6, s4  }
0x1ea: {  	s0 =	sadd.s32 s11, s0;
	[tilespmem:s4+$0x1C780] =	vst v0  }
0x1eb: {  	v0 =	vld [tilespmem:s0+$0x0];
	_ =	sdelay $0x6  }
0x1ec: {  	s8 =	simm.s32 $0x0  }
0x1ed: {  	p5 =	por $0x1, $0x1;
	v0 =	vld.idx.msk [tilespmem:v0+s8+$0x0], $0xffff  }
.Ltmp44:
0x1ee: {  	_ = 	snop;
	(pc) =	sbr.rel @!p5 .LBB2_79-.Ltmp44, $4  }
0x1ef: {  	_ = 	snop  }
0x1f0: {  	s30 =	sor.u32 s11, s12;
	s7 =	simm.s32 $0x10  }
0x1f1: {  	p4 =	por $0x0, $0x0;
	s4 =	sand.u32 $0x70, s8;
	s6 =	sand.u32 $0x1C00, s8  }
0x1f2: {  	p6 =	por $0x0, $0x0;
	s13 =	smov.u32 s6;
	s14 =	smov.u32 s4;
	[tilespmem:s30+$0x1C780] =	vst v0  }
0x1f3: {  	s0 =	sadd.s32 s6, s16  }
0x1f4: {  	s0 =	sadd.s32 s4, s0  }
0x1f5: {  	v0 =	vld [tilespmem:s0+$0x0];
	_ =	sdelay $0x5  }
0x1f6: {  	p2 =	por $0x1, $0x1  }
.Ltmp45:
0x1f7: {  	_ = 	snop;
	(pc) =	sbr.rel @!p2 .LBB2_77-.Ltmp45, $4  }
0x1f8: {  	v0 =	vld.idx.msk [tilespmem:v0+s8+$0x0], $0xffff  }
0x1f9: {  	s11 =	simm.s32 $0x80  }
0x1fa: {  	s14 =	sand.u32 $0x70, s7;
	p6 =	por $0x1, $0x1;
	s9 =	smov.u32 s6  }
0x1fb: {  	s12 =	smov.u32 s4;
	s13 =	sand.u32 $0x1C00, s11;
	s0 =	simm.s32 $0x20  }
.LBB2_78:
0x1fc: {  	p2 =	sne.s32 s0, $0x3F0;
	s30 =	sadd.s32 s13, s16;
	s9 =	sor.u32 s12, s9  }
0x1fd: {  	s12 =	smov.u32 s14;
	s30 =	sadd.s32 s14, s30;
	[tilespmem:s9+$0x1C800] =	vst v0;
	s9 =	smov.u32 s13  }
0x1fe: {  	v0 =	vld [tilespmem:s30+$0x0];
	_ =	sdelay $0x7  }
.Ltmp46:
0x1ff: {  	v0 =	vld.idx.msk [tilespmem:v0+s8+$0x0], $0xffff;
	(pc) =	sbr.rel @p2 .LBB2_78-.Ltmp46, $3  }
0x200: {  	_ =	sdelay $0x1  }
0x201: {  	s11 =	sadd.s32 $0x80, s11  }
0x202: {  	s14 =	sand.u32 $0x70, s0;
	s13 =	sand.u32 $0x1C00, s11;
	s0 =	sadd.s32 $0x10, s0  }
.LBB2_79:
0x203: {  	s0 =	sadd.s32 s13, s16;
	s9 =	sor.u32 @p6 s12, s9  }
0x204: {  	s0 =	sadd.s32 s14, s0;
	[tilespmem:s9+$0x1C800] =	vst @p6 v0  }
0x205: {  	v0 =	vld [tilespmem:s0+$0x0];
	_ =	sdelay $0x7  }
0x206: {  	v0 =	vld.idx.msk [tilespmem:v0+s8+$0x0], $0xffff  }
.Ltmp47:
0x207: {  	_ = 	snop;
	(pc) =	sbr.rel @!p5 .LBB2_80-.Ltmp47, $3  }
0x208: {  	_ =	sdelay $0x1  }
0x209: {  	s30 =	sor.u32 s14, s13  }
0x20a: {  	[tilespmem:s30+$0x1C800] =	vst v0  }
0x20b: {  	s0 =	sadd.s32 s6, s17  }
0x20c: {  	s0 =	sadd.s32 s4, s0  }
0x20d: {  	v0 =	vld [tilespmem:s0+$0x0];
	_ =	sdelay $0x5  }
0x20e: {  	p2 =	por $0x1, $0x1  }
.Ltmp48:
0x20f: {  	s8 =	simm.s32 $0x0;
	(pc) =	sbr.rel @!p2 .LBB2_82-.Ltmp48, $3  }
0x210: {  	v0 =	vld.idx.msk [tilespmem:v0+s8+$0x0], $0xffff;
	_ =	sdelay $0x1  }
0x211: {  	s9 =	simm.s32 $0x80;
	s11 =	sand.u32 $0x70, s7  }
0x212: {  	p4 =	por $0x1, $0x1;
	s7 =	sand.u32 $0x1C00, s9;
	s0 =	simm.s32 $0x20  }
.LBB2_83:
0x213: {  	p2 =	sne.s32 s0, $0x3F0;
	s12 =	sadd.s32 s7, s17;
	s4 =	sor.u32 s4, s6  }
0x214: {  	s6 =	smov.u32 s7;
	s12 =	sadd.s32 s11, s12;
	[tilespmem:s4+$0x1C880] =	vst v0;
	s4 =	smov.u32 s11  }
0x215: {  	v0 =	vld [tilespmem:s12+$0x0];
	_ =	sdelay $0x7  }
.Ltmp49:
0x216: {  	v0 =	vld.idx.msk [tilespmem:v0+s8+$0x0], $0xffff;
	(pc) =	sbr.rel @p2 .LBB2_83-.Ltmp49, $3  }
0x217: {  	_ =	sdelay $0x1  }
0x218: {  	s9 =	sadd.s32 $0x80, s9  }
0x219: {  	s11 =	sand.u32 $0x70, s0;
	s7 =	sand.u32 $0x1C00, s9;
	s0 =	sadd.s32 $0x10, s0  }
0x21a: {  	s0 =	smov.u32 s4;
	s4 =	smov.u32 s11  }
.LBB2_85:
0x21b: {  	s8 =	sadd.s32 s7, s17;
	s0 =	sor.u32 @p4 s0, s6  }
0x21c: {  	s14 =	sadd.s32 s4, s8;
	[tilespmem:s0+$0x1C880] =	vst @p4 v0  }
0x21d: {  	v0 =	vld [tilespmem:s14+$0x0];
	_ =	sdelay $0x6  }
0x21e: {  	s8 =	simm.s32 $0x0  }
0x21f: {  	p5 =	por $0x1, $0x1;
	v0 =	vld.idx.msk [tilespmem:v0+s8+$0x0], $0xffff  }
.Ltmp50:
0x220: {  	_ = 	snop;
	(pc) =	sbr.rel @!p5 .LBB2_89-.Ltmp50, $4  }
0x221: {  	_ = 	snop  }
0x222: {  	s30 =	sor.u32 s4, s7;
	s7 =	simm.s32 $0x10  }
0x223: {  	p6 =	por $0x0, $0x0;
	s4 =	sand.u32 $0x70, s8;
	s6 =	sand.u32 $0x1C00, s8  }
0x224: {  	p4 =	por $0x0, $0x0;
	s13 =	smov.u32 s6;
	s14 =	smov.u32 s4;
	[tilespmem:s30+$0x1C880] =	vst v0  }
0x225: {  	s0 =	sadd.s32 s6, s18  }
0x226: {  	s0 =	sadd.s32 s4, s0  }
0x227: {  	v0 =	vld [tilespmem:s0+$0x0];
	_ =	sdelay $0x5  }
0x228: {  	p2 =	por $0x1, $0x1  }
.Ltmp51:
0x229: {  	_ = 	snop;
	(pc) =	sbr.rel @!p2 .LBB2_87-.Ltmp51, $4  }
0x22a: {  	v0 =	vld.idx.msk [tilespmem:v0+s8+$0x0], $0xffff  }
0x22b: {  	s11 =	simm.s32 $0x80  }
0x22c: {  	s14 =	sand.u32 $0x70, s7;
	p6 =	por $0x1, $0x1;
	s9 =	smov.u32 s6  }
0x22d: {  	s12 =	smov.u32 s4;
	s13 =	sand.u32 $0x1C00, s11;
	s0 =	simm.s32 $0x20  }
.LBB2_88:
0x22e: {  	p2 =	sne.s32 s0, $0x3F0;
	s30 =	sadd.s32 s13, s18;
	s9 =	sor.u32 s12, s9  }
0x22f: {  	s12 =	smov.u32 s14;
	s30 =	sadd.s32 s14, s30;
	[tilespmem:s9+$0x1C900] =	vst v0;
	s9 =	smov.u32 s13  }
0x230: {  	v0 =	vld [tilespmem:s30+$0x0];
	_ =	sdelay $0x7  }
.Ltmp52:
0x231: {  	v0 =	vld.idx.msk [tilespmem:v0+s8+$0x0], $0xffff;
	(pc) =	sbr.rel @p2 .LBB2_88-.Ltmp52, $3  }
0x232: {  	_ =	sdelay $0x1  }
0x233: {  	s11 =	sadd.s32 $0x80, s11  }
0x234: {  	s14 =	sand.u32 $0x70, s0;
	s13 =	sand.u32 $0x1C00, s11;
	s0 =	sadd.s32 $0x10, s0  }
.LBB2_89:
0x235: {  	s0 =	sadd.s32 s13, s18;
	s9 =	sor.u32 @p6 s12, s9  }
0x236: {  	s0 =	sadd.s32 s14, s0;
	[tilespmem:s9+$0x1C900] =	vst @p6 v0  }
0x237: {  	v0 =	vld [tilespmem:s0+$0x0];
	_ =	sdelay $0x7  }
0x238: {  	v0 =	vld.idx.msk [tilespmem:v0+s8+$0x0], $0xffff  }
.Ltmp53:
0x239: {  	_ = 	snop;
	(pc) =	sbr.rel @!p5 .LBB2_90-.Ltmp53, $3  }
0x23a: {  	_ =	sdelay $0x1  }
0x23b: {  	s30 =	sor.u32 s14, s13  }
0x23c: {  	[tilespmem:s30+$0x1C900] =	vst v0  }
0x23d: {  	s0 =	sadd.s32 s6, s19  }
0x23e: {  	s0 =	sadd.s32 s4, s0  }
0x23f: {  	v0 =	vld [tilespmem:s0+$0x0];
	_ =	sdelay $0x5  }
0x240: {  	p2 =	por $0x1, $0x1  }
.Ltmp54:
0x241: {  	s8 =	simm.s32 $0x0;
	(pc) =	sbr.rel @!p2 .LBB2_92-.Ltmp54, $3  }
0x242: {  	v0 =	vld.idx.msk [tilespmem:v0+s8+$0x0], $0xffff;
	_ =	sdelay $0x1  }
0x243: {  	s9 =	simm.s32 $0x80;
	s11 =	sand.u32 $0x70, s7  }
0x244: {  	p4 =	por $0x1, $0x1;
	s7 =	sand.u32 $0x1C00, s9;
	s0 =	simm.s32 $0x20  }
.LBB2_93:
0x245: {  	p2 =	sne.s32 s0, $0x3F0;
	s12 =	sadd.s32 s7, s19;
	s4 =	sor.u32 s4, s6  }
0x246: {  	s6 =	smov.u32 s7;
	s12 =	sadd.s32 s11, s12;
	[tilespmem:s4+$0x1C980] =	vst v0;
	s4 =	smov.u32 s11  }
0x247: {  	v0 =	vld [tilespmem:s12+$0x0];
	_ =	sdelay $0x7  }
.Ltmp55:
0x248: {  	v0 =	vld.idx.msk [tilespmem:v0+s8+$0x0], $0xffff;
	(pc) =	sbr.rel @p2 .LBB2_93-.Ltmp55, $3  }
0x249: {  	_ =	sdelay $0x1  }
0x24a: {  	s9 =	sadd.s32 $0x80, s9  }
0x24b: {  	s11 =	sand.u32 $0x70, s0;
	s7 =	sand.u32 $0x1C00, s9;
	s0 =	sadd.s32 $0x10, s0  }
0x24c: {  	s0 =	smov.u32 s4;
	s4 =	smov.u32 s11  }
.LBB2_95:
0x24d: {  	s8 =	sadd.s32 s7, s19;
	s0 =	sor.u32 @p4 s0, s6  }
0x24e: {  	s14 =	sadd.s32 s4, s8;
	[tilespmem:s0+$0x1C980] =	vst @p4 v0  }
0x24f: {  	v0 =	vld [tilespmem:s14+$0x0];
	_ =	sdelay $0x6  }
0x250: {  	s8 =	simm.s32 $0x0  }
0x251: {  	p5 =	por $0x1, $0x1;
	v0 =	vld.idx.msk [tilespmem:v0+s8+$0x0], $0xffff  }
.Ltmp56:
0x252: {  	_ = 	snop;
	(pc) =	sbr.rel @!p5 .LBB2_99-.Ltmp56, $4  }
0x253: {  	_ = 	snop  }
0x254: {  	s30 =	sor.u32 s4, s7;
	s7 =	simm.s32 $0x10  }
0x255: {  	p6 =	por $0x0, $0x0;
	s4 =	sand.u32 $0x70, s8;
	s6 =	sand.u32 $0x1C00, s8  }
0x256: {  	p4 =	por $0x0, $0x0;
	s13 =	smov.u32 s6;
	s14 =	smov.u32 s4;
	[tilespmem:s30+$0x1C980] =	vst v0  }
0x257: {  	s0 =	sadd.s32 s6, s20  }
0x258: {  	s0 =	sadd.s32 s4, s0  }
0x259: {  	v0 =	vld [tilespmem:s0+$0x0];
	_ =	sdelay $0x5  }
0x25a: {  	p2 =	por $0x1, $0x1  }
.Ltmp57:
0x25b: {  	_ = 	snop;
	(pc) =	sbr.rel @!p2 .LBB2_97-.Ltmp57, $4  }
0x25c: {  	v0 =	vld.idx.msk [tilespmem:v0+s8+$0x0], $0xffff  }
0x25d: {  	s11 =	simm.s32 $0x80  }
0x25e: {  	s14 =	sand.u32 $0x70, s7;
	p6 =	por $0x1, $0x1;
	s9 =	smov.u32 s6  }
0x25f: {  	s12 =	smov.u32 s4;
	s13 =	sand.u32 $0x1C00, s11;
	s0 =	simm.s32 $0x20  }
.LBB2_98:
0x260: {  	p2 =	sne.s32 s0, $0x3F0;
	s30 =	sadd.s32 s13, s20;
	s9 =	sor.u32 s12, s9  }
0x261: {  	s12 =	smov.u32 s14;
	s30 =	sadd.s32 s14, s30;
	[tilespmem:s9+$0x1CA00] =	vst v0;
	s9 =	smov.u32 s13  }
0x262: {  	v0 =	vld [tilespmem:s30+$0x0];
	_ =	sdelay $0x7  }
.Ltmp58:
0x263: {  	v0 =	vld.idx.msk [tilespmem:v0+s8+$0x0], $0xffff;
	(pc) =	sbr.rel @p2 .LBB2_98-.Ltmp58, $3  }
0x264: {  	_ =	sdelay $0x1  }
0x265: {  	s11 =	sadd.s32 $0x80, s11  }
0x266: {  	s14 =	sand.u32 $0x70, s0;
	s13 =	sand.u32 $0x1C00, s11;
	s0 =	sadd.s32 $0x10, s0  }
.LBB2_99:
0x267: {  	s0 =	sadd.s32 s13, s20;
	s9 =	sor.u32 @p6 s12, s9  }
0x268: {  	s0 =	sadd.s32 s14, s0;
	[tilespmem:s9+$0x1CA00] =	vst @p6 v0  }
0x269: {  	v0 =	vld [tilespmem:s0+$0x0];
	_ =	sdelay $0x7  }
0x26a: {  	v0 =	vld.idx.msk [tilespmem:v0+s8+$0x0], $0xffff  }
.Ltmp59:
0x26b: {  	_ = 	snop;
	(pc) =	sbr.rel @!p5 .LBB2_100-.Ltmp59, $3  }
0x26c: {  	_ =	sdelay $0x1  }
0x26d: {  	s30 =	sor.u32 s14, s13  }
0x26e: {  	[tilespmem:s30+$0x1CA00] =	vst v0  }
0x26f: {  	s0 =	sadd.s32 s6, s21  }
0x270: {  	s0 =	sadd.s32 s4, s0  }
0x271: {  	v0 =	vld [tilespmem:s0+$0x0];
	_ =	sdelay $0x5  }
0x272: {  	p2 =	por $0x1, $0x1  }
.Ltmp60:
0x273: {  	_ = 	snop;
	(pc) =	sbr.rel @!p2 .LBB2_102-.Ltmp60, $3  }
0x274: {  	v0 =	vld.idx.msk [tilespmem:v0+s2+$0x0], $0xffff;
	_ =	sdelay $0x1  }
0x275: {  	s8 =	simm.s32 $0x80;
	s9 =	sand.u32 $0x70, s7  }
0x276: {  	s7 =	simm.s32 $0x20;
	p4 =	por $0x1, $0x1;
	s0 =	sand.u32 $0x1C00, s8  }
.LBB2_103:
0x277: {  	p2 =	sne.s32 s7, $0x3F0;
	s11 =	sadd.s32 s0, s21;
	s4 =	sor.u32 s4, s6  }
0x278: {  	s6 =	smov.u32 s0;
	s11 =	sadd.s32 s9, s11;
	[tilespmem:s4+$0x1CA80] =	vst v0;
	s4 =	smov.u32 s9  }
0x279: {  	v0 =	vld [tilespmem:s11+$0x0];
	_ =	sdelay $0x7  }
.Ltmp61:
0x27a: {  	v0 =	vld.idx.msk [tilespmem:v0+s2+$0x0], $0xffff;
	(pc) =	sbr.rel @p2 .LBB2_103-.Ltmp61, $3  }
0x27b: {  	_ =	sdelay $0x1  }
0x27c: {  	s8 =	sadd.s32 $0x80, s8  }
0x27d: {  	s9 =	sand.u32 $0x70, s7;
	s0 =	sand.u32 $0x1C00, s8;
	s7 =	sadd.s32 $0x10, s7  }
0x27e: {  	s7 =	smov.u32 s4;
	s4 =	smov.u32 s9  }
.LBB2_105:
0x27f: {  	s8 =	sadd.s32 s0, s21;
	s6 =	sor.u32 @p4 s7, s6  }
0x280: {  	s12 =	sadd.s32 s4, s8;
	[tilespmem:s6+$0x1CA80] =	vst @p4 v0  }
0x281: {  	v0 =	vld [tilespmem:s12+$0x0];
	_ =	sdelay $0x7  }
0x282: {  	v0 =	vld.idx.msk [tilespmem:v0+s2+$0x0], $0xffff;
	_ =	sdelay $0x3  }
0x283: {  	s13 =	sor.u32 s4, s0  }
0x284: {  	s14 =	rddreg [dreg:$0xc];
	[tilespmem:s13+$0x1CA80] =	vst v0  }
0x285: {  	[hbm4b:s14+s2] =	stream.linear.scatter [tilespmem:s31], [sflag:$0x3], $0x2000, $0x38;
	[tilespmem:$0x1E700] =	vst v63  }
0x286: {  	_ =	swait.ge [sflag:s1], $0x2000  }
0x287: {  	s3 =	sadd.s32 $0x1, s3;
	s30 =	rddreg [dreg:$0xd]  }
0x288: {  	p2 =	sne.s32 s3, s30  }
.Ltmp62:
0x289: {  	_ = 	snop;
	(pc) =	sbr.rel @p2 .LBB2_1-.Ltmp62, $4  }
.Ltmp63:
0x28a: {  	_ = 	snop;
	(pc) =	sbr.rel @!p2 .LBB2_106-.Ltmp63, $4  }
0x28b: {  	_ = 	snop  }
0x28c: {  	[sflag:s1] =	ssyncset.done $0x0  }
0x28d: {  	[sflag:s1] =	ssyncadd.s32 $0xFFFFE000  }
0x28e: {  	_ = 	snop  }
.LBB2_8:
.Ltmp64:
0x28f: {  	(pc) =	sbr.rel .LBB2_13-.Ltmp64, $2  }
0x290: {  	_ =	sdelay $0x2  }
0x291: {  	s7 =	smov.u32 s13  }
.LBB2_18:
.Ltmp65:
0x292: {  	(pc) =	sbr.rel .LBB2_23-.Ltmp65, $2  }
0x293: {  	_ =	sdelay $0x2  }
0x294: {  	s7 =	smov.u32 s6  }
.LBB2_28:
.Ltmp66:
0x295: {  	(pc) =	sbr.rel .LBB2_33-.Ltmp66, $2  }
0x296: {  	_ =	sdelay $0x2  }
0x297: {  	s7 =	smov.u32 s6  }
.LBB2_46:
.Ltmp67:
0x298: {  	(pc) =	sbr.rel .LBB2_51-.Ltmp67, $2  }
0x299: {  	_ =	sdelay $0x2  }
0x29a: {  	s7 =	smov.u32 s6  }
.LBB2_56:
.Ltmp68:
0x29b: {  	(pc) =	sbr.rel .LBB2_61-.Ltmp68, $2  }
0x29c: {  	_ =	sdelay $0x2  }
0x29d: {  	s7 =	smov.u32 s6  }
.LBB2_66:
.Ltmp69:
0x29e: {  	(pc) =	sbr.rel .LBB2_71-.Ltmp69, $2  }
0x29f: {  	_ =	sdelay $0x2  }
0x2a0: {  	s0 =	smov.u32 s6  }
.LBB2_80:
.Ltmp70:
0x2a1: {  	(pc) =	sbr.rel .LBB2_85-.Ltmp70, $2  }
0x2a2: {  	_ =	sdelay $0x2  }
0x2a3: {  	s7 =	smov.u32 s6  }
.LBB2_90:
.Ltmp71:
0x2a4: {  	(pc) =	sbr.rel .LBB2_95-.Ltmp71, $2  }
0x2a5: {  	_ =	sdelay $0x2  }
0x2a6: {  	s7 =	smov.u32 s6  }
.LBB2_100:
.Ltmp72:
0x2a7: {  	(pc) =	sbr.rel .LBB2_105-.Ltmp72, $2  }
0x2a8: {  	_ =	sdelay $0x2  }
0x2a9: {  	s0 =	smov.u32 s6  }
.LBB2_5:
.Ltmp73:
0x2aa: {  	(pc) =	sbr.rel .LBB2_7-.Ltmp73, $2  }
0x2ab: {  	_ =	sdelay $0x2  }
0x2ac: {  	s6 =	smov.u32 s13;
	s4 =	smov.u32 s14  }
.LBB2_10:
.Ltmp74:
0x2ad: {  	(pc) =	sbr.rel .LBB2_13-.Ltmp74, $2  }
0x2ae: {  	_ =	sdelay $0x2  }
0x2af: {  	s0 =	smov.u32 s14;
	s14 =	smov.u32 s8  }
.LBB2_15:
.Ltmp75:
0x2b0: {  	(pc) =	sbr.rel .LBB2_17-.Ltmp75, $2  }
0x2b1: {  	_ =	sdelay $0x2  }
0x2b2: {  	s9 =	smov.u32 s6;
	s12 =	smov.u32 s4  }
.LBB2_20:
.Ltmp76:
0x2b3: {  	(pc) =	sbr.rel .LBB2_23-.Ltmp76, $2  }
0x2b4: {  	_ =	sdelay $0x2  }
0x2b5: {  	s0 =	smov.u32 s4;
	s4 =	smov.u32 s11  }
.LBB2_25:
.Ltmp77:
0x2b6: {  	(pc) =	sbr.rel .LBB2_27-.Ltmp77, $2  }
0x2b7: {  	_ =	sdelay $0x2  }
0x2b8: {  	s9 =	smov.u32 s6;
	s12 =	smov.u32 s4  }
.LBB2_30:
.Ltmp78:
0x2b9: {  	(pc) =	sbr.rel .LBB2_33-.Ltmp78, $2  }
0x2ba: {  	_ =	sdelay $0x2  }
0x2bb: {  	s0 =	smov.u32 s4;
	s4 =	smov.u32 s11  }
.LBB2_35:
.Ltmp79:
0x2bc: {  	(pc) =	sbr.rel .LBB2_37-.Ltmp79, $2  }
0x2bd: {  	_ =	sdelay $0x2  }
0x2be: {  	s9 =	smov.u32 s8;
	s12 =	smov.u32 s7  }
.LBB2_43:
.Ltmp80:
0x2bf: {  	(pc) =	sbr.rel .LBB2_45-.Ltmp80, $2  }
0x2c0: {  	_ =	sdelay $0x2  }
0x2c1: {  	s9 =	smov.u32 s6;
	s12 =	smov.u32 s4  }
.LBB2_48:
.Ltmp81:
0x2c2: {  	(pc) =	sbr.rel .LBB2_51-.Ltmp81, $2  }
0x2c3: {  	_ =	sdelay $0x2  }
0x2c4: {  	s0 =	smov.u32 s4;
	s4 =	smov.u32 s11  }
.LBB2_53:
.Ltmp82:
0x2c5: {  	(pc) =	sbr.rel .LBB2_55-.Ltmp82, $2  }
0x2c6: {  	_ =	sdelay $0x2  }
0x2c7: {  	s9 =	smov.u32 s6;
	s12 =	smov.u32 s4  }
.LBB2_58:
.Ltmp83:
0x2c8: {  	(pc) =	sbr.rel .LBB2_61-.Ltmp83, $2  }
0x2c9: {  	_ =	sdelay $0x2  }
0x2ca: {  	s0 =	smov.u32 s4;
	s4 =	smov.u32 s11  }
.LBB2_63:
.Ltmp84:
0x2cb: {  	(pc) =	sbr.rel .LBB2_65-.Ltmp84, $2  }
0x2cc: {  	_ =	sdelay $0x2  }
0x2cd: {  	s9 =	smov.u32 s6;
	s12 =	smov.u32 s4  }
.LBB2_68:
.Ltmp85:
0x2ce: {  	(pc) =	sbr.rel .LBB2_71-.Ltmp85, $2  }
0x2cf: {  	_ =	sdelay $0x2  }
0x2d0: {  	s7 =	smov.u32 s4;
	s4 =	smov.u32 s9  }
.LBB2_77:
.Ltmp86:
0x2d1: {  	(pc) =	sbr.rel .LBB2_79-.Ltmp86, $2  }
0x2d2: {  	_ =	sdelay $0x2  }
0x2d3: {  	s9 =	smov.u32 s6;
	s12 =	smov.u32 s4  }
.LBB2_82:
.Ltmp87:
0x2d4: {  	(pc) =	sbr.rel .LBB2_85-.Ltmp87, $2  }
0x2d5: {  	_ =	sdelay $0x2  }
0x2d6: {  	s0 =	smov.u32 s4;
	s4 =	smov.u32 s11  }
.LBB2_87:
.Ltmp88:
0x2d7: {  	(pc) =	sbr.rel .LBB2_89-.Ltmp88, $2  }
0x2d8: {  	_ =	sdelay $0x2  }
0x2d9: {  	s9 =	smov.u32 s6;
	s12 =	smov.u32 s4  }
.LBB2_92:
.Ltmp89:
0x2da: {  	(pc) =	sbr.rel .LBB2_95-.Ltmp89, $2  }
0x2db: {  	_ =	sdelay $0x2  }
0x2dc: {  	s0 =	smov.u32 s4;
	s4 =	smov.u32 s11  }
.LBB2_97:
.Ltmp90:
0x2dd: {  	(pc) =	sbr.rel .LBB2_99-.Ltmp90, $2  }
0x2de: {  	_ =	sdelay $0x2  }
0x2df: {  	s9 =	smov.u32 s6;
	s12 =	smov.u32 s4  }
.LBB2_102:
.Ltmp91:
0x2e0: {  	(pc) =	sbr.rel .LBB2_105-.Ltmp91, $2  }
0x2e1: {  	_ =	sdelay $0x2  }
0x2e2: {  	s7 =	smov.u32 s4;
	s4 =	smov.u32 s9  }
.LBB2_106:
0x2e3: {  	_ =	sfence.sel $0x180000  }
0x2e4: {  	[bflag:$0x0] =	sbarrier.arrive $0xFFFF  }
0x2e5: {  	_ =	strace $0x90000047  }
0x2e6: {  	s0 =	stileid.u32;
	[bflag:$0x2] =	sbarrier.arrive $0xFFFF  }
0x2e7: {  	p0 =	sne.s32 s0, $0x0;
	s0 =	rddreg [dreg:$0x3]  }
0x2e8: {  	s0 =	sadd.s32 @!p0 $0x100000, s0  }
0x2e9: {  	[sflag:s0] =	ssyncadd.tile.s32 @!p0 $0x1;
	_ =	shalt  }
.Lfunc_end2:
_tile_overlayer_lowered:
.L_overlay_start_2:
0x2ea: {  	(tag) =	ssettag $0x2  }
0x2eb: {  	s0 =	rddreg [dreg:$0x0];
	s2 =	stileid.u32  }
0x2ec: {  	s1 =	rddreg [dreg:$0x1];
	p0 =	sne.s32 s2, $0x0  }
0x2ed: {  	s3 =	rddreg [dreg:$0x2];
	[bflag:$0x3] =	sbarrier.arrive $0xFFFF;
	s2 =	simm.s32 @!p0 $0x1C04  }
0x2ee: {  	[timem:s3], [sflag:s2] =	dma.local @!p0 [hbm:s0], s1  }
0x2ef: {  	s0 =	simm.s32 @!p0 $0x4  }
0x2f0: {  	_ =	swait.ge @!p0 [sflag:s0], s1  }
0x2f1: {  	s1 =	ssub.s32 @!p0 $0x0, s1;
	[sflag:s0] =	ssyncset.done @!p0 $0x0  }
0x2f2: {  	[sflag:s0] =	ssyncadd.s32 @!p0 s1  }
0x2f3: {  	[bflag:$0x3] =	sbarrier.arrive $0xFFFF  }
0x2f4: {  	_ =	shalt  }

</sc_bundles>
